<compile_context>
chip_gen: v7x
topology: tpu7x:2x2x1
jax: 0.10.2.dev20260603
libtpu: 0.0.44.dev20260713+nightly
codegen_flags: <defaults>
</compile_context>

<pallas_src>
import functools

import jax
import jax.numpy as jnp
from jax import lax
from jax.experimental import pallas as pl
from jax.experimental.pallas import tpu as pltpu
from jax.experimental.pallas import tpu_sc as plsc

NUM_CODEBOOKS = 32
CODEBOOK_VOCAB_SIZE = 2051
HIDDEN = 2048

NC = 2
NS = 16
NW = NC * NS
LANES = 16

N_TOKENS = 4 * 8192
B_PER_W = N_TOKENS // NW
CH = 16
NCH = B_PER_W // CH
NBUF = 3
NCH_MAIN = NCH - (NCH % NBUF)


def _make_kernel():
    mesh = plsc.VectorSubcoreMesh(core_axis_name="c", subcore_axis_name="s")

    @functools.partial(
        pl.kernel,
        out_type=jax.ShapeDtypeStruct((N_TOKENS, HIDDEN), jnp.float32),
        mesh=mesh,
        scratch_types=[
            pltpu.VMEM((B_PER_W,), jnp.int32),
            pltpu.VMEM((B_PER_W,), jnp.int32),
            pltpu.VMEM((NCH, CH), jnp.int32),
            pltpu.VMEM((NBUF, CH, HIDDEN), jnp.float32),
        ] + [pltpu.SemaphoreType.DMA] * (2 * NBUF),
    )
    def embed(ids_hbm, cb_hbm, table_hbm, out_hbm,
              ids_v, cb_v, idx_v, rows_v, *sems):
        gsem = sems[:NBUF]
        osem = sems[NBUF:]
        wid = lax.axis_index("s") * NC + lax.axis_index("c")
        base = wid * B_PER_W

        head = NBUF * CH
        pltpu.sync_copy(ids_hbm.at[pl.ds(base, head)], ids_v.at[pl.ds(0, head)])
        pltpu.sync_copy(cb_hbm.at[pl.ds(base, head)], cb_v.at[pl.ds(0, head)])
        for i in range(NBUF):
            idx_v[i, :] = (ids_v[pl.ds(i * CH, CH)]
                           + cb_v[pl.ds(i * CH, CH)] * CODEBOOK_VOCAB_SIZE)

        for b in range(NBUF):
            pltpu.async_copy(table_hbm.at[idx_v.at[b]], rows_v.at[b], gsem[b])

        pltpu.sync_copy(ids_hbm.at[pl.ds(base + head, B_PER_W - head)],
                        ids_v.at[pl.ds(head, B_PER_W - head)])
        pltpu.sync_copy(cb_hbm.at[pl.ds(base + head, B_PER_W - head)],
                        cb_v.at[pl.ds(head, B_PER_W - head)])
        for i in range(NBUF, NCH):
            idx_v[i, :] = (ids_v[pl.ds(i * CH, CH)]
                           + cb_v[pl.ds(i * CH, CH)] * CODEBOOK_VOCAB_SIZE)

        @pl.loop(0, NCH_MAIN, step=NBUF)
        def _(c0):
            for b in range(NBUF):
                c = c0 + b
                pltpu.make_async_copy(
                    table_hbm.at[idx_v.at[b]], rows_v.at[b], gsem[b]).wait()
                out_slice = out_hbm.at[pl.ds(base + c * CH, CH)]
                odesc = pltpu.async_copy(rows_v.at[b], out_slice, osem[b])
                odesc.wait()
                nxt = c + NBUF

                @pl.when(nxt < NCH)
                def _():
                    pltpu.async_copy(
                        table_hbm.at[idx_v.at[nxt]], rows_v.at[b], gsem[b])

        for c in range(NCH_MAIN, NCH):
            b = c % NBUF
            pltpu.make_async_copy(
                table_hbm.at[idx_v.at[b]], rows_v.at[b], gsem[b]).wait()
            out_slice = out_hbm.at[pl.ds(base + c * CH, CH)]
            pltpu.async_copy(rows_v.at[b], out_slice, osem[b]).wait()

    return embed


_embed = _make_kernel()


def kernel(input_ids, codebook_idxs, table):
    ids = input_ids.reshape(-1)
    cb = codebook_idxs.reshape(-1)
    out = _embed(ids, cb, table)
    return out.reshape(*input_ids.shape, HIDDEN)

# --- scband reference (transcript-rebuilt; emitter-appended) ---
"""Pipeline reference for scband-conversational-speech-model-embeddings-6133213298723 (READ-ONLY COPY).

The authoritative reference and input builder live on the scoring server;
editing this copy changes nothing except your own understanding.
"""

import jax, jax.numpy as jnp
import numpy as np

NUM_CODEBOOKS = 32
CODEBOOK_VOCAB_SIZE = 2051
HIDDEN = 2048
PAD_IDX = 0
BATCH = 4
SEQ = 8192


def setup_inputs(seed: int = 0) -> dict:
    key = jax.random.key(seed)
    k1, k2, k3 = jax.random.split(key, 3)
    input_ids = jax.random.randint(k1, (BATCH, SEQ), 0, CODEBOOK_VOCAB_SIZE, dtype=jnp.int32)
    codebook_idxs = jax.random.randint(k2, (BATCH, SEQ), 0, NUM_CODEBOOKS, dtype=jnp.int32)
    table = jax.random.normal(k3, (NUM_CODEBOOKS * CODEBOOK_VOCAB_SIZE, HIDDEN), dtype=jnp.float32) * 0.02
    # nn.Embedding zero-initializes the padding_idx row
    table = table.at[PAD_IDX].set(0.0)
    return {"input_ids": input_ids, "codebook_idxs": codebook_idxs, "table": table}


def reference(input_ids, codebook_idxs, table):
    # offset = codebook_idxs * codebook_vocab_size; embed_audio_tokens(input_ids + offset)
    flat_idx = input_ids + codebook_idxs * CODEBOOK_VOCAB_SIZE
    return jnp.take(table, flat_idx, axis=0)

if __name__ == "__main__":
    import jax
    _d = setup_inputs()
    print(jax.jit(kernel)(*tuple(_d.values())))

</pallas_src>

<mosaic_0001>
#map = affine_map<(d0, d1) -> (0)>
#map1 = affine_map<(d0, d1) -> (0, 0)>
module attributes {stable_mosaic.version = 14 : i64} {
  func.func @embed(%arg0: i32, %arg1: i32, %arg2: memref<32768xi32, #tpu.memory_space<hbm>>, %arg3: memref<32768xi32, #tpu.memory_space<hbm>>, %arg4: memref<65632x2048xf32, #tpu.memory_space<hbm>>, %arg5: memref<32768x2048xf32, #tpu.memory_space<hbm>>, %arg6: memref<1024xi32, #tpu.memory_space<vmem>>, %arg7: memref<1024xi32, #tpu.memory_space<vmem>>, %arg8: memref<64x16xi32, #tpu.memory_space<vmem>>, %arg9: memref<3x16x2048xf32, #tpu.memory_space<vmem>>, %arg10: memref<!tpu.dma_semaphore, #tpu.memory_space<semaphore_mem>>, %arg11: memref<!tpu.dma_semaphore, #tpu.memory_space<semaphore_mem>>, %arg12: memref<!tpu.dma_semaphore, #tpu.memory_space<semaphore_mem>>, %arg13: memref<!tpu.dma_semaphore, #tpu.memory_space<semaphore_mem>>, %arg14: memref<!tpu.dma_semaphore, #tpu.memory_space<semaphore_mem>>, %arg15: memref<!tpu.dma_semaphore, #tpu.memory_space<semaphore_mem>>) attributes {dimension_semantics = [#tpu.dimension_semantics<core_parallel>, #tpu.dimension_semantics<subcore_parallel>], iteration_bounds = array<i64: 2, 16>, scalar_prefetch = 0 : i64, scratch_operands = 10 : i64, tpu.core_type = #tpu.core_type<sc_vector_subcore>, window_params = [{transform_indices = #map}, {transform_indices = #map}, {transform_indices = #map1}, {transform_indices = #map1}]} {
    %mul3A = arith.constant 2 : i32
    %mul3A_0 = arith.muli %arg1, %mul3A : i32
    %add3A = arith.addi %mul3A_0, %arg0 : i32
    %mul3A_1 = arith.constant 1024 : i32
    %mul3A_2 = arith.muli %add3A, %mul3A_1 : i32
    "tpu.region"() ({
      %run_scoped3A = tpu.sem_alloc : memref<!tpu.dma_semaphore, #tpu.memory_space<semaphore_mem>>
      %dma_start3A_1107 = arith.constant 0 : i32
      %dma_start3A_1108 = tpu.memref_slice %arg6[%dma_start3A_1107] : memref<1024xi32, #tpu.memory_space<vmem>> -> memref<48xi32, #tpu.memory_space<vmem>>
      %dma_start3A_1109 = tpu.memref_slice %arg2[%mul3A_2] : memref<32768xi32, #tpu.memory_space<hbm>> -> memref<48xi32, #tpu.memory_space<hbm>>
      %dma_start3A_1110 = arith.constant 0 : i32
      %dma_start3A_1111 = tpu.memref_slice %arg6[%dma_start3A_1110] : memref<1024xi32, #tpu.memory_space<vmem>> -> memref<48xi32, #tpu.memory_space<vmem>>
      %dma_start3A_1112 = tpu.memref_slice %arg2[%mul3A_2] : memref<32768xi32, #tpu.memory_space<hbm>> -> memref<48xi32, #tpu.memory_space<hbm>>
      tpu.enqueue_dma source(%dma_start3A_1112 : memref<48xi32, #tpu.memory_space<hbm>>) target(%dma_start3A_1111 : memref<48xi32, #tpu.memory_space<vmem>>) target_semaphore(%run_scoped3A : memref<!tpu.dma_semaphore, #tpu.memory_space<semaphore_mem>>)
      %dma_wait3A_1113 = arith.constant 0 : i32
      %dma_wait3A_1114 = tpu.memref_slice %arg6[%dma_wait3A_1113] : memref<1024xi32, #tpu.memory_space<vmem>> -> memref<48xi32, #tpu.memory_space<vmem>>
      %dma_wait3A_1115 = tpu.memref_slice %arg2[%mul3A_2] : memref<32768xi32, #tpu.memory_space<hbm>> -> memref<48xi32, #tpu.memory_space<hbm>>
      %dma_wait3A_1116 = arith.constant 0 : i32
      %dma_wait3A_1117 = tpu.memref_slice %arg6[%dma_wait3A_1116] : memref<1024xi32, #tpu.memory_space<vmem>> -> memref<48xi32, #tpu.memory_space<vmem>>
      %dma_wait3A_1118 = tpu.memref_slice %arg2[%mul3A_2] : memref<32768xi32, #tpu.memory_space<hbm>> -> memref<48xi32, #tpu.memory_space<hbm>>
      tpu.wait_dma2 semaphore(%run_scoped3A : memref<!tpu.dma_semaphore, #tpu.memory_space<semaphore_mem>>) src(%dma_wait3A_1118 : memref<48xi32, #tpu.memory_space<hbm>>) dst(%dma_wait3A_1117 : memref<48xi32, #tpu.memory_space<vmem>>)
      tpu.yield
    }) : () -> ()
    "tpu.region"() ({
      %run_scoped3A = tpu.sem_alloc : memref<!tpu.dma_semaphore, #tpu.memory_space<semaphore_mem>>
      %dma_start3A_1107 = arith.constant 0 : i32
      %dma_start3A_1108 = tpu.memref_slice %arg7[%dma_start3A_1107] : memref<1024xi32, #tpu.memory_space<vmem>> -> memref<48xi32, #tpu.memory_space<vmem>>
      %dma_start3A_1109 = tpu.memref_slice %arg3[%mul3A_2] : memref<32768xi32, #tpu.memory_space<hbm>> -> memref<48xi32, #tpu.memory_space<hbm>>
      %dma_start3A_1110 = arith.constant 0 : i32
      %dma_start3A_1111 = tpu.memref_slice %arg7[%dma_start3A_1110] : memref<1024xi32, #tpu.memory_space<vmem>> -> memref<48xi32, #tpu.memory_space<vmem>>
      %dma_start3A_1112 = tpu.memref_slice %arg3[%mul3A_2] : memref<32768xi32, #tpu.memory_space<hbm>> -> memref<48xi32, #tpu.memory_space<hbm>>
      tpu.enqueue_dma source(%dma_start3A_1112 : memref<48xi32, #tpu.memory_space<hbm>>) target(%dma_start3A_1111 : memref<48xi32, #tpu.memory_space<vmem>>) target_semaphore(%run_scoped3A : memref<!tpu.dma_semaphore, #tpu.memory_space<semaphore_mem>>)
      %dma_wait3A_1113 = arith.constant 0 : i32
      %dma_wait3A_1114 = tpu.memref_slice %arg7[%dma_wait3A_1113] : memref<1024xi32, #tpu.memory_space<vmem>> -> memref<48xi32, #tpu.memory_space<vmem>>
      %dma_wait3A_1115 = tpu.memref_slice %arg3[%mul3A_2] : memref<32768xi32, #tpu.memory_space<hbm>> -> memref<48xi32, #tpu.memory_space<hbm>>
      %dma_wait3A_1116 = arith.constant 0 : i32
      %dma_wait3A_1117 = tpu.memref_slice %arg7[%dma_wait3A_1116] : memref<1024xi32, #tpu.memory_space<vmem>> -> memref<48xi32, #tpu.memory_space<vmem>>
      %dma_wait3A_1118 = tpu.memref_slice %arg3[%mul3A_2] : memref<32768xi32, #tpu.memory_space<hbm>> -> memref<48xi32, #tpu.memory_space<hbm>>
      tpu.wait_dma2 semaphore(%run_scoped3A : memref<!tpu.dma_semaphore, #tpu.memory_space<semaphore_mem>>) src(%dma_wait3A_1118 : memref<48xi32, #tpu.memory_space<hbm>>) dst(%dma_wait3A_1117 : memref<48xi32, #tpu.memory_space<vmem>>)
      tpu.yield
    }) : () -> ()
    %get3A = arith.constant 0 : index
    %get3A_3 = tpu.vector_load %arg6[%get3A] {strides = array<i32>} : memref<1024xi32, #tpu.memory_space<vmem>>, vector<16xi32>,
    %get3A_4 = vector.shape_cast %get3A_3 : vector<16xi32> to vector<16xi32>
    %get3A_5 = arith.constant 0 : index
    %get3A_6 = tpu.vector_load %arg7[%get3A_5] {strides = array<i32>} : memref<1024xi32, #tpu.memory_space<vmem>>, vector<16xi32>,
    %get3A_7 = vector.shape_cast %get3A_6 : vector<16xi32> to vector<16xi32>
    %mul3A_8 = arith.constant 2051 : i32
    %mul3A_9 = vector.broadcast %mul3A_8 : i32 to vector<16xi32>
    %mul3A_10 = arith.muli %get3A_7, %mul3A_9 : vector<16xi32>
    %add3A_11 = arith.addi %get3A_4, %mul3A_10 : vector<16xi32>
    %swap3A = arith.constant 0 : i32
    %swap3A_12 = arith.index_cast %swap3A : i32 to index
    %swap3A_13 = arith.constant 0 : index
    %swap3A_14 = tpu.vector_load %arg8[%swap3A_12, %swap3A_13] {strides = array<i32>} : memref<64x16xi32, #tpu.memory_space<vmem>>, vector<1x16xi32>,
    %swap3A_15 = vector.shape_cast %swap3A_14 : vector<1x16xi32> to vector<16xi32>
    %swap3A_16 = vector.shape_cast %add3A_11 : vector<16xi32> to vector<1x16xi32>
    tpu.vector_store %arg8[%swap3A_12, %swap3A_13], %swap3A_16 {strides = array<i32>} : memref<64x16xi32, #tpu.memory_space<vmem>>, vector<1x16xi32>,
    %get3A_17 = arith.constant 16 : index
    %get3A_18 = tpu.vector_load %arg6[%get3A_17] {strides = array<i32>} : memref<1024xi32, #tpu.memory_space<vmem>>, vector<16xi32>,
    %get3A_19 = vector.shape_cast %get3A_18 : vector<16xi32> to vector<16xi32>
    %get3A_20 = arith.constant 16 : index
    %get3A_21 = tpu.vector_load %arg7[%get3A_20] {strides = array<i32>} : memref<1024xi32, #tpu.memory_space<vmem>>, vector<16xi32>,
    %get3A_22 = vector.shape_cast %get3A_21 : vector<16xi32> to vector<16xi32>
    %mul3A_23 = arith.constant 2051 : i32
    %mul3A_24 = vector.broadcast %mul3A_23 : i32 to vector<16xi32>
    %mul3A_25 = arith.muli %get3A_22, %mul3A_24 : vector<16xi32>
    %add3A_26 = arith.addi %get3A_19, %mul3A_25 : vector<16xi32>
    %swap3A_27 = arith.constant 1 : i32
    %swap3A_28 = arith.index_cast %swap3A_27 : i32 to index
    %swap3A_29 = arith.constant 0 : index
    %swap3A_30 = tpu.vector_load %arg8[%swap3A_28, %swap3A_29] {strides = array<i32>} : memref<64x16xi32, #tpu.memory_space<vmem>>, vector<1x16xi32>,
    %swap3A_31 = vector.shape_cast %swap3A_30 : vector<1x16xi32> to vector<16xi32>
    %swap3A_32 = vector.shape_cast %add3A_26 : vector<16xi32> to vector<1x16xi32>
    tpu.vector_store %arg8[%swap3A_28, %swap3A_29], %swap3A_32 {strides = array<i32>} : memref<64x16xi32, #tpu.memory_space<vmem>>, vector<1x16xi32>,
    %get3A_33 = arith.constant 32 : index
    %get3A_34 = tpu.vector_load %arg6[%get3A_33] {strides = array<i32>} : memref<1024xi32, #tpu.memory_space<vmem>>, vector<16xi32>,
    %get3A_35 = vector.shape_cast %get3A_34 : vector<16xi32> to vector<16xi32>
    %get3A_36 = arith.constant 32 : index
    %get3A_37 = tpu.vector_load %arg7[%get3A_36] {strides = array<i32>} : memref<1024xi32, #tpu.memory_space<vmem>>, vector<16xi32>,
    %get3A_38 = vector.shape_cast %get3A_37 : vector<16xi32> to vector<16xi32>
    %mul3A_39 = arith.constant 2051 : i32
    %mul3A_40 = vector.broadcast %mul3A_39 : i32 to vector<16xi32>
    %mul3A_41 = arith.muli %get3A_38, %mul3A_40 : vector<16xi32>
    %add3A_42 = arith.addi %get3A_35, %mul3A_41 : vector<16xi32>
    %swap3A_43 = arith.constant 2 : i32
    %swap3A_44 = arith.index_cast %swap3A_43 : i32 to index
    %swap3A_45 = arith.constant 0 : index
    %swap3A_46 = tpu.vector_load %arg8[%swap3A_44, %swap3A_45] {strides = array<i32>} : memref<64x16xi32, #tpu.memory_space<vmem>>, vector<1x16xi32>,
    %swap3A_47 = vector.shape_cast %swap3A_46 : vector<1x16xi32> to vector<16xi32>
    %swap3A_48 = vector.shape_cast %add3A_42 : vector<16xi32> to vector<1x16xi32>
    tpu.vector_store %arg8[%swap3A_44, %swap3A_45], %swap3A_48 {strides = array<i32>} : memref<64x16xi32, #tpu.memory_space<vmem>>, vector<1x16xi32>,
    %dma_start3A = arith.constant 0 : i32
    %dma_start3A_49 = arith.constant 0 : i32
    %dma_start3A_50 = arith.constant 0 : i32
    %dma_start3A_51 = arith.constant 0 : i32
    %dma_start3A_52 = tpu.memref_slice %arg9[%dma_start3A_49, %dma_start3A_50, %dma_start3A_51] : memref<3x16x2048xf32, #tpu.memory_space<vmem>> -> memref<1x16x2048xf32, #tpu.memory_space<vmem>>
    %dma_start3A_53 = tpu.memref_squeeze %dma_start3A_52 : memref<1x16x2048xf32, #tpu.memory_space<vmem>> -> memref<16x2048xf32, #tpu.memory_space<vmem>>
    %dma_start3A_54 = arith.constant 0 : i32
    %dma_start3A_55 = tpu.memref_slice %arg8[%dma_start3A, %dma_start3A_54] : memref<64x16xi32, #tpu.memory_space<vmem>> -> memref<1x16xi32, #tpu.memory_space<vmem>>
    %dma_start3A_56 = tpu.memref_squeeze %dma_start3A_55 : memref<1x16xi32, #tpu.memory_space<vmem>> -> memref<16xi32, #tpu.memory_space<vmem>>
    %dma_start3A_57 = arith.constant 0 : i32
    %dma_start3A_58 = arith.constant 0 : i32
    %dma_start3A_59 = tpu.memref_slice %arg4[%dma_start3A_57, %dma_start3A_58] : memref<65632x2048xf32, #tpu.memory_space<hbm>> -> memref<65632x2048xf32, #tpu.memory_space<hbm>>
    tpu.enqueue_indirect_dma source(%dma_start3A_59 : memref<65632x2048xf32, #tpu.memory_space<hbm>>) target(%dma_start3A_53 : memref<16x2048xf32, #tpu.memory_space<vmem>>) offsets(%dma_start3A_56 : memref<16xi32, #tpu.memory_space<vmem>>) semaphore(%arg10 : memref<!tpu.dma_semaphore, #tpu.memory_space<semaphore_mem>>)
    %dma_start3A_60 = arith.constant 1 : i32
    %dma_start3A_61 = arith.constant 1 : i32
    %dma_start3A_62 = arith.constant 0 : i32
    %dma_start3A_63 = arith.constant 0 : i32
    %dma_start3A_64 = tpu.memref_slice %arg9[%dma_start3A_61, %dma_start3A_62, %dma_start3A_63] : memref<3x16x2048xf32, #tpu.memory_space<vmem>> -> memref<1x16x2048xf32, #tpu.memory_space<vmem>>
    %dma_start3A_65 = tpu.memref_squeeze %dma_start3A_64 : memref<1x16x2048xf32, #tpu.memory_space<vmem>> -> memref<16x2048xf32, #tpu.memory_space<vmem>>
    %dma_start3A_66 = arith.constant 0 : i32
    %dma_start3A_67 = tpu.memref_slice %arg8[%dma_start3A_60, %dma_start3A_66] : memref<64x16xi32, #tpu.memory_space<vmem>> -> memref<1x16xi32, #tpu.memory_space<vmem>>
    %dma_start3A_68 = tpu.memref_squeeze %dma_start3A_67 : memref<1x16xi32, #tpu.memory_space<vmem>> -> memref<16xi32, #tpu.memory_space<vmem>>
    %dma_start3A_69 = arith.constant 0 : i32
    %dma_start3A_70 = arith.constant 0 : i32
    %dma_start3A_71 = tpu.memref_slice %arg4[%dma_start3A_69, %dma_start3A_70] : memref<65632x2048xf32, #tpu.memory_space<hbm>> -> memref<65632x2048xf32, #tpu.memory_space<hbm>>
    tpu.enqueue_indirect_dma source(%dma_start3A_71 : memref<65632x2048xf32, #tpu.memory_space<hbm>>) target(%dma_start3A_65 : memref<16x2048xf32, #tpu.memory_space<vmem>>) offsets(%dma_start3A_68 : memref<16xi32, #tpu.memory_space<vmem>>) semaphore(%arg11 : memref<!tpu.dma_semaphore, #tpu.memory_space<semaphore_mem>>)
    %dma_start3A_72 = arith.constant 2 : i32
    %dma_start3A_73 = arith.constant 2 : i32
    %dma_start3A_74 = arith.constant 0 : i32
    %dma_start3A_75 = arith.constant 0 : i32
    %dma_start3A_76 = tpu.memref_slice %arg9[%dma_start3A_73, %dma_start3A_74, %dma_start3A_75] : memref<3x16x2048xf32, #tpu.memory_space<vmem>> -> memref<1x16x2048xf32, #tpu.memory_space<vmem>>
    %dma_start3A_77 = tpu.memref_squeeze %dma_start3A_76 : memref<1x16x2048xf32, #tpu.memory_space<vmem>> -> memref<16x2048xf32, #tpu.memory_space<vmem>>
    %dma_start3A_78 = arith.constant 0 : i32
    %dma_start3A_79 = tpu.memref_slice %arg8[%dma_start3A_72, %dma_start3A_78] : memref<64x16xi32, #tpu.memory_space<vmem>> -> memref<1x16xi32, #tpu.memory_space<vmem>>
    %dma_start3A_80 = tpu.memref_squeeze %dma_start3A_79 : memref<1x16xi32, #tpu.memory_space<vmem>> -> memref<16xi32, #tpu.memory_space<vmem>>
    %dma_start3A_81 = arith.constant 0 : i32
    %dma_start3A_82 = arith.constant 0 : i32
    %dma_start3A_83 = tpu.memref_slice %arg4[%dma_start3A_81, %dma_start3A_82] : memref<65632x2048xf32, #tpu.memory_space<hbm>> -> memref<65632x2048xf32, #tpu.memory_space<hbm>>
    tpu.enqueue_indirect_dma source(%dma_start3A_83 : memref<65632x2048xf32, #tpu.memory_space<hbm>>) target(%dma_start3A_77 : memref<16x2048xf32, #tpu.memory_space<vmem>>) offsets(%dma_start3A_80 : memref<16xi32, #tpu.memory_space<vmem>>) semaphore(%arg12 : memref<!tpu.dma_semaphore, #tpu.memory_space<semaphore_mem>>)
    %add3A_84 = arith.constant 48 : i32
    %add3A_85 = arith.addi %mul3A_2, %add3A_84 : i32
    "tpu.region"() ({
      %run_scoped3A = tpu.sem_alloc : memref<!tpu.dma_semaphore, #tpu.memory_space<semaphore_mem>>
      %dma_start3A_1107 = arith.constant 48 : i32
      %dma_start3A_1108 = tpu.memref_slice %arg6[%dma_start3A_1107] : memref<1024xi32, #tpu.memory_space<vmem>> -> memref<976xi32, #tpu.memory_space<vmem>>
      %dma_start3A_1109 = tpu.memref_slice %arg2[%add3A_85] : memref<32768xi32, #tpu.memory_space<hbm>> -> memref<976xi32, #tpu.memory_space<hbm>>
      %dma_start3A_1110 = arith.constant 48 : i32
      %dma_start3A_1111 = tpu.memref_slice %arg6[%dma_start3A_1110] : memref<1024xi32, #tpu.memory_space<vmem>> -> memref<976xi32, #tpu.memory_space<vmem>>
      %dma_start3A_1112 = tpu.memref_slice %arg2[%add3A_85] : memref<32768xi32, #tpu.memory_space<hbm>> -> memref<976xi32, #tpu.memory_space<hbm>>
      tpu.enqueue_dma source(%dma_start3A_1112 : memref<976xi32, #tpu.memory_space<hbm>>) target(%dma_start3A_1111 : memref<976xi32, #tpu.memory_space<vmem>>) target_semaphore(%run_scoped3A : memref<!tpu.dma_semaphore, #tpu.memory_space<semaphore_mem>>)
      %dma_wait3A_1113 = arith.constant 48 : i32
      %dma_wait3A_1114 = tpu.memref_slice %arg6[%dma_wait3A_1113] : memref<1024xi32, #tpu.memory_space<vmem>> -> memref<976xi32, #tpu.memory_space<vmem>>
      %dma_wait3A_1115 = tpu.memref_slice %arg2[%add3A_85] : memref<32768xi32, #tpu.memory_space<hbm>> -> memref<976xi32, #tpu.memory_space<hbm>>
      %dma_wait3A_1116 = arith.constant 48 : i32
      %dma_wait3A_1117 = tpu.memref_slice %arg6[%dma_wait3A_1116] : memref<1024xi32, #tpu.memory_space<vmem>> -> memref<976xi32, #tpu.memory_space<vmem>>
      %dma_wait3A_1118 = tpu.memref_slice %arg2[%add3A_85] : memref<32768xi32, #tpu.memory_space<hbm>> -> memref<976xi32, #tpu.memory_space<hbm>>
      tpu.wait_dma2 semaphore(%run_scoped3A : memref<!tpu.dma_semaphore, #tpu.memory_space<semaphore_mem>>) src(%dma_wait3A_1118 : memref<976xi32, #tpu.memory_space<hbm>>) dst(%dma_wait3A_1117 : memref<976xi32, #tpu.memory_space<vmem>>)
      tpu.yield
    }) : () -> ()
    %add3A_86 = arith.constant 48 : i32
    %add3A_87 = arith.addi %mul3A_2, %add3A_86 : i32
    "tpu.region"() ({
      %run_scoped3A = tpu.sem_alloc : memref<!tpu.dma_semaphore, #tpu.memory_space<semaphore_mem>>
      %dma_start3A_1107 = arith.constant 48 : i32
      %dma_start3A_1108 = tpu.memref_slice %arg7[%dma_start3A_1107] : memref<1024xi32, #tpu.memory_space<vmem>> -> memref<976xi32, #tpu.memory_space<vmem>>
      %dma_start3A_1109 = tpu.memref_slice %arg3[%add3A_87] : memref<32768xi32, #tpu.memory_space<hbm>> -> memref<976xi32, #tpu.memory_space<hbm>>
      %dma_start3A_1110 = arith.constant 48 : i32
      %dma_start3A_1111 = tpu.memref_slice %arg7[%dma_start3A_1110] : memref<1024xi32, #tpu.memory_space<vmem>> -> memref<976xi32, #tpu.memory_space<vmem>>
      %dma_start3A_1112 = tpu.memref_slice %arg3[%add3A_87] : memref<32768xi32, #tpu.memory_space<hbm>> -> memref<976xi32, #tpu.memory_space<hbm>>
      tpu.enqueue_dma source(%dma_start3A_1112 : memref<976xi32, #tpu.memory_space<hbm>>) target(%dma_start3A_1111 : memref<976xi32, #tpu.memory_space<vmem>>) target_semaphore(%run_scoped3A : memref<!tpu.dma_semaphore, #tpu.memory_space<semaphore_mem>>)
      %dma_wait3A_1113 = arith.constant 48 : i32
      %dma_wait3A_1114 = tpu.memref_slice %arg7[%dma_wait3A_1113] : memref<1024xi32, #tpu.memory_space<vmem>> -> memref<976xi32, #tpu.memory_space<vmem>>
      %dma_wait3A_1115 = tpu.memref_slice %arg3[%add3A_87] : memref<32768xi32, #tpu.memory_space<hbm>> -> memref<976xi32, #tpu.memory_space<hbm>>
      %dma_wait3A_1116 = arith.constant 48 : i32
      %dma_wait3A_1117 = tpu.memref_slice %arg7[%dma_wait3A_1116] : memref<1024xi32, #tpu.memory_space<vmem>> -> memref<976xi32, #tpu.memory_space<vmem>>
      %dma_wait3A_1118 = tpu.memref_slice %arg3[%add3A_87] : memref<32768xi32, #tpu.memory_space<hbm>> -> memref<976xi32, #tpu.memory_space<hbm>>
      tpu.wait_dma2 semaphore(%run_scoped3A : memref<!tpu.dma_semaphore, #tpu.memory_space<semaphore_mem>>) src(%dma_wait3A_1118 : memref<976xi32, #tpu.memory_space<hbm>>) dst(%dma_wait3A_1117 : memref<976xi32, #tpu.memory_space<vmem>>)
      tpu.yield
    }) : () -> ()
    %get3A_88 = arith.constant 48 : index
    %get3A_89 = tpu.vector_load %arg6[%get3A_88] {strides = array<i32>} : memref<1024xi32, #tpu.memory_space<vmem>>, vector<16xi32>,
    %get3A_90 = vector.shape_cast %get3A_89 : vector<16xi32> to vector<16xi32>
    %get3A_91 = arith.constant 48 : index
    %get3A_92 = tpu.vector_load %arg7[%get3A_91] {strides = array<i32>} : memref<1024xi32, #tpu.memory_space<vmem>>, vector<16xi32>,
    %get3A_93 = vector.shape_cast %get3A_92 : vector<16xi32> to vector<16xi32>
    %mul3A_94 = arith.constant 2051 : i32
    %mul3A_95 = vector.broadcast %mul3A_94 : i32 to vector<16xi32>
    %mul3A_96 = arith.muli %get3A_93, %mul3A_95 : vector<16xi32>
    %add3A_97 = arith.addi %get3A_90, %mul3A_96 : vector<16xi32>
    %swap3A_98 = arith.constant 3 : i32
    %swap3A_99 = arith.index_cast %swap3A_98 : i32 to index
    %swap3A_100 = arith.constant 0 : index
    %swap3A_101 = tpu.vector_load %arg8[%swap3A_99, %swap3A_100] {strides = array<i32>} : memref<64x16xi32, #tpu.memory_space<vmem>>, vector<1x16xi32>,
    %swap3A_102 = vector.shape_cast %swap3A_101 : vector<1x16xi32> to vector<16xi32>
    %swap3A_103 = vector.shape_cast %add3A_97 : vector<16xi32> to vector<1x16xi32>
    tpu.vector_store %arg8[%swap3A_99, %swap3A_100], %swap3A_103 {strides = array<i32>} : memref<64x16xi32, #tpu.memory_space<vmem>>, vector<1x16xi32>,
    %get3A_104 = arith.constant 64 : index
    %get3A_105 = tpu.vector_load %arg6[%get3A_104] {strides = array<i32>} : memref<1024xi32, #tpu.memory_space<vmem>>, vector<16xi32>,
    %get3A_106 = vector.shape_cast %get3A_105 : vector<16xi32> to vector<16xi32>
    %get3A_107 = arith.constant 64 : index
    %get3A_108 = tpu.vector_load %arg7[%get3A_107] {strides = array<i32>} : memref<1024xi32, #tpu.memory_space<vmem>>, vector<16xi32>,
    %get3A_109 = vector.shape_cast %get3A_108 : vector<16xi32> to vector<16xi32>
    %mul3A_110 = arith.constant 2051 : i32
    %mul3A_111 = vector.broadcast %mul3A_110 : i32 to vector<16xi32>
    %mul3A_112 = arith.muli %get3A_109, %mul3A_111 : vector<16xi32>
    %add3A_113 = arith.addi %get3A_106, %mul3A_112 : vector<16xi32>
    %swap3A_114 = arith.constant 4 : i32
    %swap3A_115 = arith.index_cast %swap3A_114 : i32 to index
    %swap3A_116 = arith.constant 0 : index
    %swap3A_117 = tpu.vector_load %arg8[%swap3A_115, %swap3A_116] {strides = array<i32>} : memref<64x16xi32, #tpu.memory_space<vmem>>, vector<1x16xi32>,
    %swap3A_118 = vector.shape_cast %swap3A_117 : vector<1x16xi32> to vector<16xi32>
    %swap3A_119 = vector.shape_cast %add3A_113 : vector<16xi32> to vector<1x16xi32>
    tpu.vector_store %arg8[%swap3A_115, %swap3A_116], %swap3A_119 {strides = array<i32>} : memref<64x16xi32, #tpu.memory_space<vmem>>, vector<1x16xi32>,
    %get3A_120 = arith.constant 80 : index
    %get3A_121 = tpu.vector_load %arg6[%get3A_120] {strides = array<i32>} : memref<1024xi32, #tpu.memory_space<vmem>>, vector<16xi32>,
    %get3A_122 = vector.shape_cast %get3A_121 : vector<16xi32> to vector<16xi32>
    %get3A_123 = arith.constant 80 : index
    %get3A_124 = tpu.vector_load %arg7[%get3A_123] {strides = array<i32>} : memref<1024xi32, #tpu.memory_space<vmem>>, vector<16xi32>,
    %get3A_125 = vector.shape_cast %get3A_124 : vector<16xi32> to vector<16xi32>
    %mul3A_126 = arith.constant 2051 : i32
    %mul3A_127 = vector.broadcast %mul3A_126 : i32 to vector<16xi32>
    %mul3A_128 = arith.muli %get3A_125, %mul3A_127 : vector<16xi32>
    %add3A_129 = arith.addi %get3A_122, %mul3A_128 : vector<16xi32>
    %swap3A_130 = arith.constant 5 : i32
    %swap3A_131 = arith.index_cast %swap3A_130 : i32 to index
    %swap3A_132 = arith.constant 0 : index
    %swap3A_133 = tpu.vector_load %arg8[%swap3A_131, %swap3A_132] {strides = array<i32>} : memref<64x16xi32, #tpu.memory_space<vmem>>, vector<1x16xi32>,
    %swap3A_134 = vector.shape_cast %swap3A_133 : vector<1x16xi32> to vector<16xi32>
    %swap3A_135 = vector.shape_cast %add3A_129 : vector<16xi32> to vector<1x16xi32>
    tpu.vector_store %arg8[%swap3A_131, %swap3A_132], %swap3A_135 {strides = array<i32>} : memref<64x16xi32, #tpu.memory_space<vmem>>, vector<1x16xi32>,
    %get3A_136 = arith.constant 96 : index
    %get3A_137 = tpu.vector_load %arg6[%get3A_136] {strides = array<i32>} : memref<1024xi32, #tpu.memory_space<vmem>>, vector<16xi32>,
    %get3A_138 = vector.shape_cast %get3A_137 : vector<16xi32> to vector<16xi32>
    %get3A_139 = arith.constant 96 : index
    %get3A_140 = tpu.vector_load %arg7[%get3A_139] {strides = array<i32>} : memref<1024xi32, #tpu.memory_space<vmem>>, vector<16xi32>,
    %get3A_141 = vector.shape_cast %get3A_140 : vector<16xi32> to vector<16xi32>
    %mul3A_142 = arith.constant 2051 : i32
    %mul3A_143 = vector.broadcast %mul3A_142 : i32 to vector<16xi32>
    %mul3A_144 = arith.muli %get3A_141, %mul3A_143 : vector<16xi32>
    %add3A_145 = arith.addi %get3A_138, %mul3A_144 : vector<16xi32>
    %swap3A_146 = arith.constant 6 : i32
    %swap3A_147 = arith.index_cast %swap3A_146 : i32 to index
    %swap3A_148 = arith.constant 0 : index
    %swap3A_149 = tpu.vector_load %arg8[%swap3A_147, %swap3A_148] {strides = array<i32>} : memref<64x16xi32, #tpu.memory_space<vmem>>, vector<1x16xi32>,
    %swap3A_150 = vector.shape_cast %swap3A_149 : vector<1x16xi32> to vector<16xi32>
    %swap3A_151 = vector.shape_cast %add3A_145 : vector<16xi32> to vector<1x16xi32>
    tpu.vector_store %arg8[%swap3A_147, %swap3A_148], %swap3A_151 {strides = array<i32>} : memref<64x16xi32, #tpu.memory_space<vmem>>, vector<1x16xi32>,
    %get3A_152 = arith.constant 112 : index
    %get3A_153 = tpu.vector_load %arg6[%get3A_152] {strides = array<i32>} : memref<1024xi32, #tpu.memory_space<vmem>>, vector<16xi32>,
    %get3A_154 = vector.shape_cast %get3A_153 : vector<16xi32> to vector<16xi32>
    %get3A_155 = arith.constant 112 : index
    %get3A_156 = tpu.vector_load %arg7[%get3A_155] {strides = array<i32>} : memref<1024xi32, #tpu.memory_space<vmem>>, vector<16xi32>,
    %get3A_157 = vector.shape_cast %get3A_156 : vector<16xi32> to vector<16xi32>
    %mul3A_158 = arith.constant 2051 : i32
    %mul3A_159 = vector.broadcast %mul3A_158 : i32 to vector<16xi32>
    %mul3A_160 = arith.muli %get3A_157, %mul3A_159 : vector<16xi32>
    %add3A_161 = arith.addi %get3A_154, %mul3A_160 : vector<16xi32>
    %swap3A_162 = arith.constant 7 : i32
    %swap3A_163 = arith.index_cast %swap3A_162 : i32 to index
    %swap3A_164 = arith.constant 0 : index
    %swap3A_165 = tpu.vector_load %arg8[%swap3A_163, %swap3A_164] {strides = array<i32>} : memref<64x16xi32, #tpu.memory_space<vmem>>, vector<1x16xi32>,
    %swap3A_166 = vector.shape_cast %swap3A_165 : vector<1x16xi32> to vector<16xi32>
    %swap3A_167 = vector.shape_cast %add3A_161 : vector<16xi32> to vector<1x16xi32>
    tpu.vector_store %arg8[%swap3A_163, %swap3A_164], %swap3A_167 {strides = array<i32>} : memref<64x16xi32, #tpu.memory_space<vmem>>, vector<1x16xi32>,
    %get3A_168 = arith.constant 128 : index
    %get3A_169 = tpu.vector_load %arg6[%get3A_168] {strides = array<i32>} : memref<1024xi32, #tpu.memory_space<vmem>>, vector<16xi32>,
    %get3A_170 = vector.shape_cast %get3A_169 : vector<16xi32> to vector<16xi32>
    %get3A_171 = arith.constant 128 : index
    %get3A_172 = tpu.vector_load %arg7[%get3A_171] {strides = array<i32>} : memref<1024xi32, #tpu.memory_space<vmem>>, vector<16xi32>,
    %get3A_173 = vector.shape_cast %get3A_172 : vector<16xi32> to vector<16xi32>
    %mul3A_174 = arith.constant 2051 : i32
    %mul3A_175 = vector.broadcast %mul3A_174 : i32 to vector<16xi32>
    %mul3A_176 = arith.muli %get3A_173, %mul3A_175 : vector<16xi32>
    %add3A_177 = arith.addi %get3A_170, %mul3A_176 : vector<16xi32>
    %swap3A_178 = arith.constant 8 : i32
    %swap3A_179 = arith.index_cast %swap3A_178 : i32 to index
    %swap3A_180 = arith.constant 0 : index
    %swap3A_181 = tpu.vector_load %arg8[%swap3A_179, %swap3A_180] {strides = array<i32>} : memref<64x16xi32, #tpu.memory_space<vmem>>, vector<1x16xi32>,
    %swap3A_182 = vector.shape_cast %swap3A_181 : vector<1x16xi32> to vector<16xi32>
    %swap3A_183 = vector.shape_cast %add3A_177 : vector<16xi32> to vector<1x16xi32>
    tpu.vector_store %arg8[%swap3A_179, %swap3A_180], %swap3A_183 {strides = array<i32>} : memref<64x16xi32, #tpu.memory_space<vmem>>, vector<1x16xi32>,
    %get3A_184 = arith.constant 144 : index
    %get3A_185 = tpu.vector_load %arg6[%get3A_184] {strides = array<i32>} : memref<1024xi32, #tpu.memory_space<vmem>>, vector<16xi32>,
    %get3A_186 = vector.shape_cast %get3A_185 : vector<16xi32> to vector<16xi32>
    %get3A_187 = arith.constant 144 : index
    %get3A_188 = tpu.vector_load %arg7[%get3A_187] {strides = array<i32>} : memref<1024xi32, #tpu.memory_space<vmem>>, vector<16xi32>,
    %get3A_189 = vector.shape_cast %get3A_188 : vector<16xi32> to vector<16xi32>
    %mul3A_190 = arith.constant 2051 : i32
    %mul3A_191 = vector.broadcast %mul3A_190 : i32 to vector<16xi32>
    %mul3A_192 = arith.muli %get3A_189, %mul3A_191 : vector<16xi32>
    %add3A_193 = arith.addi %get3A_186, %mul3A_192 : vector<16xi32>
    %swap3A_194 = arith.constant 9 : i32
    %swap3A_195 = arith.index_cast %swap3A_194 : i32 to index
    %swap3A_196 = arith.constant 0 : index
    %swap3A_197 = tpu.vector_load %arg8[%swap3A_195, %swap3A_196] {strides = array<i32>} : memref<64x16xi32, #tpu.memory_space<vmem>>, vector<1x16xi32>,
    %swap3A_198 = vector.shape_cast %swap3A_197 : vector<1x16xi32> to vector<16xi32>
    %swap3A_199 = vector.shape_cast %add3A_193 : vector<16xi32> to vector<1x16xi32>
    tpu.vector_store %arg8[%swap3A_195, %swap3A_196], %swap3A_199 {strides = array<i32>} : memref<64x16xi32, #tpu.memory_space<vmem>>, vector<1x16xi32>,
    %get3A_200 = arith.constant 160 : index
    %get3A_201 = tpu.vector_load %arg6[%get3A_200] {strides = array<i32>} : memref<1024xi32, #tpu.memory_space<vmem>>, vector<16xi32>,
    %get3A_202 = vector.shape_cast %get3A_201 : vector<16xi32> to vector<16xi32>
    %get3A_203 = arith.constant 160 : index
    %get3A_204 = tpu.vector_load %arg7[%get3A_203] {strides = array<i32>} : memref<1024xi32, #tpu.memory_space<vmem>>, vector<16xi32>,
    %get3A_205 = vector.shape_cast %get3A_204 : vector<16xi32> to vector<16xi32>
    %mul3A_206 = arith.constant 2051 : i32
    %mul3A_207 = vector.broadcast %mul3A_206 : i32 to vector<16xi32>
    %mul3A_208 = arith.muli %get3A_205, %mul3A_207 : vector<16xi32>
    %add3A_209 = arith.addi %get3A_202, %mul3A_208 : vector<16xi32>
    %swap3A_210 = arith.constant 10 : i32
    %swap3A_211 = arith.index_cast %swap3A_210 : i32 to index
    %swap3A_212 = arith.constant 0 : index
    %swap3A_213 = tpu.vector_load %arg8[%swap3A_211, %swap3A_212] {strides = array<i32>} : memref<64x16xi32, #tpu.memory_space<vmem>>, vector<1x16xi32>,
    %swap3A_214 = vector.shape_cast %swap3A_213 : vector<1x16xi32> to vector<16xi32>
    %swap3A_215 = vector.shape_cast %add3A_209 : vector<16xi32> to vector<1x16xi32>
    tpu.vector_store %arg8[%swap3A_211, %swap3A_212], %swap3A_215 {strides = array<i32>} : memref<64x16xi32, #tpu.memory_space<vmem>>, vector<1x16xi32>,
    %get3A_216 = arith.constant 176 : index
    %get3A_217 = tpu.vector_load %arg6[%get3A_216] {strides = array<i32>} : memref<1024xi32, #tpu.memory_space<vmem>>, vector<16xi32>,
    %get3A_218 = vector.shape_cast %get3A_217 : vector<16xi32> to vector<16xi32>
    %get3A_219 = arith.constant 176 : index
    %get3A_220 = tpu.vector_load %arg7[%get3A_219] {strides = array<i32>} : memref<1024xi32, #tpu.memory_space<vmem>>, vector<16xi32>,
    %get3A_221 = vector.shape_cast %get3A_220 : vector<16xi32> to vector<16xi32>
    %mul3A_222 = arith.constant 2051 : i32
    %mul3A_223 = vector.broadcast %mul3A_222 : i32 to vector<16xi32>
    %mul3A_224 = arith.muli %get3A_221, %mul3A_223 : vector<16xi32>
    %add3A_225 = arith.addi %get3A_218, %mul3A_224 : vector<16xi32>
    %swap3A_226 = arith.constant 11 : i32
    %swap3A_227 = arith.index_cast %swap3A_226 : i32 to index
    %swap3A_228 = arith.constant 0 : index
    %swap3A_229 = tpu.vector_load %arg8[%swap3A_227, %swap3A_228] {strides = array<i32>} : memref<64x16xi32, #tpu.memory_space<vmem>>, vector<1x16xi32>,
    %swap3A_230 = vector.shape_cast %swap3A_229 : vector<1x16xi32> to vector<16xi32>
    %swap3A_231 = vector.shape_cast %add3A_225 : vector<16xi32> to vector<1x16xi32>
    tpu.vector_store %arg8[%swap3A_227, %swap3A_228], %swap3A_231 {strides = array<i32>} : memref<64x16xi32, #tpu.memory_space<vmem>>, vector<1x16xi32>,
    %get3A_232 = arith.constant 192 : index
    %get3A_233 = tpu.vector_load %arg6[%get3A_232] {strides = array<i32>} : memref<1024xi32, #tpu.memory_space<vmem>>, vector<16xi32>,
    %get3A_234 = vector.shape_cast %get3A_233 : vector<16xi32> to vector<16xi32>
    %get3A_235 = arith.constant 192 : index
    %get3A_236 = tpu.vector_load %arg7[%get3A_235] {strides = array<i32>} : memref<1024xi32, #tpu.memory_space<vmem>>, vector<16xi32>,
    %get3A_237 = vector.shape_cast %get3A_236 : vector<16xi32> to vector<16xi32>
    %mul3A_238 = arith.constant 2051 : i32
    %mul3A_239 = vector.broadcast %mul3A_238 : i32 to vector<16xi32>
    %mul3A_240 = arith.muli %get3A_237, %mul3A_239 : vector<16xi32>
    %add3A_241 = arith.addi %get3A_234, %mul3A_240 : vector<16xi32>
    %swap3A_242 = arith.constant 12 : i32
    %swap3A_243 = arith.index_cast %swap3A_242 : i32 to index
    %swap3A_244 = arith.constant 0 : index
    %swap3A_245 = tpu.vector_load %arg8[%swap3A_243, %swap3A_244] {strides = array<i32>} : memref<64x16xi32, #tpu.memory_space<vmem>>, vector<1x16xi32>,
    %swap3A_246 = vector.shape_cast %swap3A_245 : vector<1x16xi32> to vector<16xi32>
    %swap3A_247 = vector.shape_cast %add3A_241 : vector<16xi32> to vector<1x16xi32>
    tpu.vector_store %arg8[%swap3A_243, %swap3A_244], %swap3A_247 {strides = array<i32>} : memref<64x16xi32, #tpu.memory_space<vmem>>, vector<1x16xi32>,
    %get3A_248 = arith.constant 208 : index
    %get3A_249 = tpu.vector_load %arg6[%get3A_248] {strides = array<i32>} : memref<1024xi32, #tpu.memory_space<vmem>>, vector<16xi32>,
    %get3A_250 = vector.shape_cast %get3A_249 : vector<16xi32> to vector<16xi32>
    %get3A_251 = arith.constant 208 : index
    %get3A_252 = tpu.vector_load %arg7[%get3A_251] {strides = array<i32>} : memref<1024xi32, #tpu.memory_space<vmem>>, vector<16xi32>,
    %get3A_253 = vector.shape_cast %get3A_252 : vector<16xi32> to vector<16xi32>
    %mul3A_254 = arith.constant 2051 : i32
    %mul3A_255 = vector.broadcast %mul3A_254 : i32 to vector<16xi32>
    %mul3A_256 = arith.muli %get3A_253, %mul3A_255 : vector<16xi32>
    %add3A_257 = arith.addi %get3A_250, %mul3A_256 : vector<16xi32>
    %swap3A_258 = arith.constant 13 : i32
    %swap3A_259 = arith.index_cast %swap3A_258 : i32 to index
    %swap3A_260 = arith.constant 0 : index
    %swap3A_261 = tpu.vector_load %arg8[%swap3A_259, %swap3A_260] {strides = array<i32>} : memref<64x16xi32, #tpu.memory_space<vmem>>, vector<1x16xi32>,
    %swap3A_262 = vector.shape_cast %swap3A_261 : vector<1x16xi32> to vector<16xi32>
    %swap3A_263 = vector.shape_cast %add3A_257 : vector<16xi32> to vector<1x16xi32>
    tpu.vector_store %arg8[%swap3A_259, %swap3A_260], %swap3A_263 {strides = array<i32>} : memref<64x16xi32, #tpu.memory_space<vmem>>, vector<1x16xi32>,
    %get3A_264 = arith.constant 224 : index
    %get3A_265 = tpu.vector_load %arg6[%get3A_264] {strides = array<i32>} : memref<1024xi32, #tpu.memory_space<vmem>>, vector<16xi32>,
    %get3A_266 = vector.shape_cast %get3A_265 : vector<16xi32> to vector<16xi32>
    %get3A_267 = arith.constant 224 : index
    %get3A_268 = tpu.vector_load %arg7[%get3A_267] {strides = array<i32>} : memref<1024xi32, #tpu.memory_space<vmem>>, vector<16xi32>,
    %get3A_269 = vector.shape_cast %get3A_268 : vector<16xi32> to vector<16xi32>
    %mul3A_270 = arith.constant 2051 : i32
    %mul3A_271 = vector.broadcast %mul3A_270 : i32 to vector<16xi32>
    %mul3A_272 = arith.muli %get3A_269, %mul3A_271 : vector<16xi32>
    %add3A_273 = arith.addi %get3A_266, %mul3A_272 : vector<16xi32>
    %swap3A_274 = arith.constant 14 : i32
    %swap3A_275 = arith.index_cast %swap3A_274 : i32 to index
    %swap3A_276 = arith.constant 0 : index
    %swap3A_277 = tpu.vector_load %arg8[%swap3A_275, %swap3A_276] {strides = array<i32>} : memref<64x16xi32, #tpu.memory_space<vmem>>, vector<1x16xi32>,
    %swap3A_278 = vector.shape_cast %swap3A_277 : vector<1x16xi32> to vector<16xi32>
    %swap3A_279 = vector.shape_cast %add3A_273 : vector<16xi32> to vector<1x16xi32>
    tpu.vector_store %arg8[%swap3A_275, %swap3A_276], %swap3A_279 {strides = array<i32>} : memref<64x16xi32, #tpu.memory_space<vmem>>, vector<1x16xi32>,
    %get3A_280 = arith.constant 240 : index
    %get3A_281 = tpu.vector_load %arg6[%get3A_280] {strides = array<i32>} : memref<1024xi32, #tpu.memory_space<vmem>>, vector<16xi32>,
    %get3A_282 = vector.shape_cast %get3A_281 : vector<16xi32> to vector<16xi32>
    %get3A_283 = arith.constant 240 : index
    %get3A_284 = tpu.vector_load %arg7[%get3A_283] {strides = array<i32>} : memref<1024xi32, #tpu.memory_space<vmem>>, vector<16xi32>,
    %get3A_285 = vector.shape_cast %get3A_284 : vector<16xi32> to vector<16xi32>
    %mul3A_286 = arith.constant 2051 : i32
    %mul3A_287 = vector.broadcast %mul3A_286 : i32 to vector<16xi32>
    %mul3A_288 = arith.muli %get3A_285, %mul3A_287 : vector<16xi32>
    %add3A_289 = arith.addi %get3A_282, %mul3A_288 : vector<16xi32>
    %swap3A_290 = arith.constant 15 : i32
    %swap3A_291 = arith.index_cast %swap3A_290 : i32 to index
    %swap3A_292 = arith.constant 0 : index
    %swap3A_293 = tpu.vector_load %arg8[%swap3A_291, %swap3A_292] {strides = array<i32>} : memref<64x16xi32, #tpu.memory_space<vmem>>, vector<1x16xi32>,
    %swap3A_294 = vector.shape_cast %swap3A_293 : vector<1x16xi32> to vector<16xi32>
    %swap3A_295 = vector.shape_cast %add3A_289 : vector<16xi32> to vector<1x16xi32>
    tpu.vector_store %arg8[%swap3A_291, %swap3A_292], %swap3A_295 {strides = array<i32>} : memref<64x16xi32, #tpu.memory_space<vmem>>, vector<1x16xi32>,
    %get3A_296 = arith.constant 256 : index
    %get3A_297 = tpu.vector_load %arg6[%get3A_296] {strides = array<i32>} : memref<1024xi32, #tpu.memory_space<vmem>>, vector<16xi32>,
    %get3A_298 = vector.shape_cast %get3A_297 : vector<16xi32> to vector<16xi32>
    %get3A_299 = arith.constant 256 : index
    %get3A_300 = tpu.vector_load %arg7[%get3A_299] {strides = array<i32>} : memref<1024xi32, #tpu.memory_space<vmem>>, vector<16xi32>,
    %get3A_301 = vector.shape_cast %get3A_300 : vector<16xi32> to vector<16xi32>
    %mul3A_302 = arith.constant 2051 : i32
    %mul3A_303 = vector.broadcast %mul3A_302 : i32 to vector<16xi32>
    %mul3A_304 = arith.muli %get3A_301, %mul3A_303 : vector<16xi32>
    %add3A_305 = arith.addi %get3A_298, %mul3A_304 : vector<16xi32>
    %swap3A_306 = arith.constant 16 : i32
    %swap3A_307 = arith.index_cast %swap3A_306 : i32 to index
    %swap3A_308 = arith.constant 0 : index
    %swap3A_309 = tpu.vector_load %arg8[%swap3A_307, %swap3A_308] {strides = array<i32>} : memref<64x16xi32, #tpu.memory_space<vmem>>, vector<1x16xi32>,
    %swap3A_310 = vector.shape_cast %swap3A_309 : vector<1x16xi32> to vector<16xi32>
    %swap3A_311 = vector.shape_cast %add3A_305 : vector<16xi32> to vector<1x16xi32>
    tpu.vector_store %arg8[%swap3A_307, %swap3A_308], %swap3A_311 {strides = array<i32>} : memref<64x16xi32, #tpu.memory_space<vmem>>, vector<1x16xi32>,
    %get3A_312 = arith.constant 272 : index
    %get3A_313 = tpu.vector_load %arg6[%get3A_312] {strides = array<i32>} : memref<1024xi32, #tpu.memory_space<vmem>>, vector<16xi32>,
    %get3A_314 = vector.shape_cast %get3A_313 : vector<16xi32> to vector<16xi32>
    %get3A_315 = arith.constant 272 : index
    %get3A_316 = tpu.vector_load %arg7[%get3A_315] {strides = array<i32>} : memref<1024xi32, #tpu.memory_space<vmem>>, vector<16xi32>,
    %get3A_317 = vector.shape_cast %get3A_316 : vector<16xi32> to vector<16xi32>
    %mul3A_318 = arith.constant 2051 : i32
    %mul3A_319 = vector.broadcast %mul3A_318 : i32 to vector<16xi32>
    %mul3A_320 = arith.muli %get3A_317, %mul3A_319 : vector<16xi32>
    %add3A_321 = arith.addi %get3A_314, %mul3A_320 : vector<16xi32>
    %swap3A_322 = arith.constant 17 : i32
    %swap3A_323 = arith.index_cast %swap3A_322 : i32 to index
    %swap3A_324 = arith.constant 0 : index
    %swap3A_325 = tpu.vector_load %arg8[%swap3A_323, %swap3A_324] {strides = array<i32>} : memref<64x16xi32, #tpu.memory_space<vmem>>, vector<1x16xi32>,
    %swap3A_326 = vector.shape_cast %swap3A_325 : vector<1x16xi32> to vector<16xi32>
    %swap3A_327 = vector.shape_cast %add3A_321 : vector<16xi32> to vector<1x16xi32>
    tpu.vector_store %arg8[%swap3A_323, %swap3A_324], %swap3A_327 {strides = array<i32>} : memref<64x16xi32, #tpu.memory_space<vmem>>, vector<1x16xi32>,
    %get3A_328 = arith.constant 288 : index
    %get3A_329 = tpu.vector_load %arg6[%get3A_328] {strides = array<i32>} : memref<1024xi32, #tpu.memory_space<vmem>>, vector<16xi32>,
    %get3A_330 = vector.shape_cast %get3A_329 : vector<16xi32> to vector<16xi32>
    %get3A_331 = arith.constant 288 : index
    %get3A_332 = tpu.vector_load %arg7[%get3A_331] {strides = array<i32>} : memref<1024xi32, #tpu.memory_space<vmem>>, vector<16xi32>,
    %get3A_333 = vector.shape_cast %get3A_332 : vector<16xi32> to vector<16xi32>
    %mul3A_334 = arith.constant 2051 : i32
    %mul3A_335 = vector.broadcast %mul3A_334 : i32 to vector<16xi32>
    %mul3A_336 = arith.muli %get3A_333, %mul3A_335 : vector<16xi32>
    %add3A_337 = arith.addi %get3A_330, %mul3A_336 : vector<16xi32>
    %swap3A_338 = arith.constant 18 : i32
    %swap3A_339 = arith.index_cast %swap3A_338 : i32 to index
    %swap3A_340 = arith.constant 0 : index
    %swap3A_341 = tpu.vector_load %arg8[%swap3A_339, %swap3A_340] {strides = array<i32>} : memref<64x16xi32, #tpu.memory_space<vmem>>, vector<1x16xi32>,
    %swap3A_342 = vector.shape_cast %swap3A_341 : vector<1x16xi32> to vector<16xi32>
    %swap3A_343 = vector.shape_cast %add3A_337 : vector<16xi32> to vector<1x16xi32>
    tpu.vector_store %arg8[%swap3A_339, %swap3A_340], %swap3A_343 {strides = array<i32>} : memref<64x16xi32, #tpu.memory_space<vmem>>, vector<1x16xi32>,
    %get3A_344 = arith.constant 304 : index
    %get3A_345 = tpu.vector_load %arg6[%get3A_344] {strides = array<i32>} : memref<1024xi32, #tpu.memory_space<vmem>>, vector<16xi32>,
    %get3A_346 = vector.shape_cast %get3A_345 : vector<16xi32> to vector<16xi32>
    %get3A_347 = arith.constant 304 : index
    %get3A_348 = tpu.vector_load %arg7[%get3A_347] {strides = array<i32>} : memref<1024xi32, #tpu.memory_space<vmem>>, vector<16xi32>,
    %get3A_349 = vector.shape_cast %get3A_348 : vector<16xi32> to vector<16xi32>
    %mul3A_350 = arith.constant 2051 : i32
    %mul3A_351 = vector.broadcast %mul3A_350 : i32 to vector<16xi32>
    %mul3A_352 = arith.muli %get3A_349, %mul3A_351 : vector<16xi32>
    %add3A_353 = arith.addi %get3A_346, %mul3A_352 : vector<16xi32>
    %swap3A_354 = arith.constant 19 : i32
    %swap3A_355 = arith.index_cast %swap3A_354 : i32 to index
    %swap3A_356 = arith.constant 0 : index
    %swap3A_357 = tpu.vector_load %arg8[%swap3A_355, %swap3A_356] {strides = array<i32>} : memref<64x16xi32, #tpu.memory_space<vmem>>, vector<1x16xi32>,
    %swap3A_358 = vector.shape_cast %swap3A_357 : vector<1x16xi32> to vector<16xi32>
    %swap3A_359 = vector.shape_cast %add3A_353 : vector<16xi32> to vector<1x16xi32>
    tpu.vector_store %arg8[%swap3A_355, %swap3A_356], %swap3A_359 {strides = array<i32>} : memref<64x16xi32, #tpu.memory_space<vmem>>, vector<1x16xi32>,
    %get3A_360 = arith.constant 320 : index
    %get3A_361 = tpu.vector_load %arg6[%get3A_360] {strides = array<i32>} : memref<1024xi32, #tpu.memory_space<vmem>>, vector<16xi32>,
    %get3A_362 = vector.shape_cast %get3A_361 : vector<16xi32> to vector<16xi32>
    %get3A_363 = arith.constant 320 : index
    %get3A_364 = tpu.vector_load %arg7[%get3A_363] {strides = array<i32>} : memref<1024xi32, #tpu.memory_space<vmem>>, vector<16xi32>,
    %get3A_365 = vector.shape_cast %get3A_364 : vector<16xi32> to vector<16xi32>
    %mul3A_366 = arith.constant 2051 : i32
    %mul3A_367 = vector.broadcast %mul3A_366 : i32 to vector<16xi32>
    %mul3A_368 = arith.muli %get3A_365, %mul3A_367 : vector<16xi32>
    %add3A_369 = arith.addi %get3A_362, %mul3A_368 : vector<16xi32>
    %swap3A_370 = arith.constant 20 : i32
    %swap3A_371 = arith.index_cast %swap3A_370 : i32 to index
    %swap3A_372 = arith.constant 0 : index
    %swap3A_373 = tpu.vector_load %arg8[%swap3A_371, %swap3A_372] {strides = array<i32>} : memref<64x16xi32, #tpu.memory_space<vmem>>, vector<1x16xi32>,
    %swap3A_374 = vector.shape_cast %swap3A_373 : vector<1x16xi32> to vector<16xi32>
    %swap3A_375 = vector.shape_cast %add3A_369 : vector<16xi32> to vector<1x16xi32>
    tpu.vector_store %arg8[%swap3A_371, %swap3A_372], %swap3A_375 {strides = array<i32>} : memref<64x16xi32, #tpu.memory_space<vmem>>, vector<1x16xi32>,
    %get3A_376 = arith.constant 336 : index
    %get3A_377 = tpu.vector_load %arg6[%get3A_376] {strides = array<i32>} : memref<1024xi32, #tpu.memory_space<vmem>>, vector<16xi32>,
    %get3A_378 = vector.shape_cast %get3A_377 : vector<16xi32> to vector<16xi32>
    %get3A_379 = arith.constant 336 : index
    %get3A_380 = tpu.vector_load %arg7[%get3A_379] {strides = array<i32>} : memref<1024xi32, #tpu.memory_space<vmem>>, vector<16xi32>,
    %get3A_381 = vector.shape_cast %get3A_380 : vector<16xi32> to vector<16xi32>
    %mul3A_382 = arith.constant 2051 : i32
    %mul3A_383 = vector.broadcast %mul3A_382 : i32 to vector<16xi32>
    %mul3A_384 = arith.muli %get3A_381, %mul3A_383 : vector<16xi32>
    %add3A_385 = arith.addi %get3A_378, %mul3A_384 : vector<16xi32>
    %swap3A_386 = arith.constant 21 : i32
    %swap3A_387 = arith.index_cast %swap3A_386 : i32 to index
    %swap3A_388 = arith.constant 0 : index
    %swap3A_389 = tpu.vector_load %arg8[%swap3A_387, %swap3A_388] {strides = array<i32>} : memref<64x16xi32, #tpu.memory_space<vmem>>, vector<1x16xi32>,
    %swap3A_390 = vector.shape_cast %swap3A_389 : vector<1x16xi32> to vector<16xi32>
    %swap3A_391 = vector.shape_cast %add3A_385 : vector<16xi32> to vector<1x16xi32>
    tpu.vector_store %arg8[%swap3A_387, %swap3A_388], %swap3A_391 {strides = array<i32>} : memref<64x16xi32, #tpu.memory_space<vmem>>, vector<1x16xi32>,
    %get3A_392 = arith.constant 352 : index
    %get3A_393 = tpu.vector_load %arg6[%get3A_392] {strides = array<i32>} : memref<1024xi32, #tpu.memory_space<vmem>>, vector<16xi32>,
    %get3A_394 = vector.shape_cast %get3A_393 : vector<16xi32> to vector<16xi32>
    %get3A_395 = arith.constant 352 : index
    %get3A_396 = tpu.vector_load %arg7[%get3A_395] {strides = array<i32>} : memref<1024xi32, #tpu.memory_space<vmem>>, vector<16xi32>,
    %get3A_397 = vector.shape_cast %get3A_396 : vector<16xi32> to vector<16xi32>
    %mul3A_398 = arith.constant 2051 : i32
    %mul3A_399 = vector.broadcast %mul3A_398 : i32 to vector<16xi32>
    %mul3A_400 = arith.muli %get3A_397, %mul3A_399 : vector<16xi32>
    %add3A_401 = arith.addi %get3A_394, %mul3A_400 : vector<16xi32>
    %swap3A_402 = arith.constant 22 : i32
    %swap3A_403 = arith.index_cast %swap3A_402 : i32 to index
    %swap3A_404 = arith.constant 0 : index
    %swap3A_405 = tpu.vector_load %arg8[%swap3A_403, %swap3A_404] {strides = array<i32>} : memref<64x16xi32, #tpu.memory_space<vmem>>, vector<1x16xi32>,
    %swap3A_406 = vector.shape_cast %swap3A_405 : vector<1x16xi32> to vector<16xi32>
    %swap3A_407 = vector.shape_cast %add3A_401 : vector<16xi32> to vector<1x16xi32>
    tpu.vector_store %arg8[%swap3A_403, %swap3A_404], %swap3A_407 {strides = array<i32>} : memref<64x16xi32, #tpu.memory_space<vmem>>, vector<1x16xi32>,
    %get3A_408 = arith.constant 368 : index
    %get3A_409 = tpu.vector_load %arg6[%get3A_408] {strides = array<i32>} : memref<1024xi32, #tpu.memory_space<vmem>>, vector<16xi32>,
    %get3A_410 = vector.shape_cast %get3A_409 : vector<16xi32> to vector<16xi32>
    %get3A_411 = arith.constant 368 : index
    %get3A_412 = tpu.vector_load %arg7[%get3A_411] {strides = array<i32>} : memref<1024xi32, #tpu.memory_space<vmem>>, vector<16xi32>,
    %get3A_413 = vector.shape_cast %get3A_412 : vector<16xi32> to vector<16xi32>
    %mul3A_414 = arith.constant 2051 : i32
    %mul3A_415 = vector.broadcast %mul3A_414 : i32 to vector<16xi32>
    %mul3A_416 = arith.muli %get3A_413, %mul3A_415 : vector<16xi32>
    %add3A_417 = arith.addi %get3A_410, %mul3A_416 : vector<16xi32>
    %swap3A_418 = arith.constant 23 : i32
    %swap3A_419 = arith.index_cast %swap3A_418 : i32 to index
    %swap3A_420 = arith.constant 0 : index
    %swap3A_421 = tpu.vector_load %arg8[%swap3A_419, %swap3A_420] {strides = array<i32>} : memref<64x16xi32, #tpu.memory_space<vmem>>, vector<1x16xi32>,
    %swap3A_422 = vector.shape_cast %swap3A_421 : vector<1x16xi32> to vector<16xi32>
    %swap3A_423 = vector.shape_cast %add3A_417 : vector<16xi32> to vector<1x16xi32>
    tpu.vector_store %arg8[%swap3A_419, %swap3A_420], %swap3A_423 {strides = array<i32>} : memref<64x16xi32, #tpu.memory_space<vmem>>, vector<1x16xi32>,
    %get3A_424 = arith.constant 384 : index
    %get3A_425 = tpu.vector_load %arg6[%get3A_424] {strides = array<i32>} : memref<1024xi32, #tpu.memory_space<vmem>>, vector<16xi32>,
    %get3A_426 = vector.shape_cast %get3A_425 : vector<16xi32> to vector<16xi32>
    %get3A_427 = arith.constant 384 : index
    %get3A_428 = tpu.vector_load %arg7[%get3A_427] {strides = array<i32>} : memref<1024xi32, #tpu.memory_space<vmem>>, vector<16xi32>,
    %get3A_429 = vector.shape_cast %get3A_428 : vector<16xi32> to vector<16xi32>
    %mul3A_430 = arith.constant 2051 : i32
    %mul3A_431 = vector.broadcast %mul3A_430 : i32 to vector<16xi32>
    %mul3A_432 = arith.muli %get3A_429, %mul3A_431 : vector<16xi32>
    %add3A_433 = arith.addi %get3A_426, %mul3A_432 : vector<16xi32>
    %swap3A_434 = arith.constant 24 : i32
    %swap3A_435 = arith.index_cast %swap3A_434 : i32 to index
    %swap3A_436 = arith.constant 0 : index
    %swap3A_437 = tpu.vector_load %arg8[%swap3A_435, %swap3A_436] {strides = array<i32>} : memref<64x16xi32, #tpu.memory_space<vmem>>, vector<1x16xi32>,
    %swap3A_438 = vector.shape_cast %swap3A_437 : vector<1x16xi32> to vector<16xi32>
    %swap3A_439 = vector.shape_cast %add3A_433 : vector<16xi32> to vector<1x16xi32>
    tpu.vector_store %arg8[%swap3A_435, %swap3A_436], %swap3A_439 {strides = array<i32>} : memref<64x16xi32, #tpu.memory_space<vmem>>, vector<1x16xi32>,
    %get3A_440 = arith.constant 400 : index
    %get3A_441 = tpu.vector_load %arg6[%get3A_440] {strides = array<i32>} : memref<1024xi32, #tpu.memory_space<vmem>>, vector<16xi32>,
    %get3A_442 = vector.shape_cast %get3A_441 : vector<16xi32> to vector<16xi32>
    %get3A_443 = arith.constant 400 : index
    %get3A_444 = tpu.vector_load %arg7[%get3A_443] {strides = array<i32>} : memref<1024xi32, #tpu.memory_space<vmem>>, vector<16xi32>,
    %get3A_445 = vector.shape_cast %get3A_444 : vector<16xi32> to vector<16xi32>
    %mul3A_446 = arith.constant 2051 : i32
    %mul3A_447 = vector.broadcast %mul3A_446 : i32 to vector<16xi32>
    %mul3A_448 = arith.muli %get3A_445, %mul3A_447 : vector<16xi32>
    %add3A_449 = arith.addi %get3A_442, %mul3A_448 : vector<16xi32>
    %swap3A_450 = arith.constant 25 : i32
    %swap3A_451 = arith.index_cast %swap3A_450 : i32 to index
    %swap3A_452 = arith.constant 0 : index
    %swap3A_453 = tpu.vector_load %arg8[%swap3A_451, %swap3A_452] {strides = array<i32>} : memref<64x16xi32, #tpu.memory_space<vmem>>, vector<1x16xi32>,
    %swap3A_454 = vector.shape_cast %swap3A_453 : vector<1x16xi32> to vector<16xi32>
    %swap3A_455 = vector.shape_cast %add3A_449 : vector<16xi32> to vector<1x16xi32>
    tpu.vector_store %arg8[%swap3A_451, %swap3A_452], %swap3A_455 {strides = array<i32>} : memref<64x16xi32, #tpu.memory_space<vmem>>, vector<1x16xi32>,
    %get3A_456 = arith.constant 416 : index
    %get3A_457 = tpu.vector_load %arg6[%get3A_456] {strides = array<i32>} : memref<1024xi32, #tpu.memory_space<vmem>>, vector<16xi32>,
    %get3A_458 = vector.shape_cast %get3A_457 : vector<16xi32> to vector<16xi32>
    %get3A_459 = arith.constant 416 : index
    %get3A_460 = tpu.vector_load %arg7[%get3A_459] {strides = array<i32>} : memref<1024xi32, #tpu.memory_space<vmem>>, vector<16xi32>,
    %get3A_461 = vector.shape_cast %get3A_460 : vector<16xi32> to vector<16xi32>
    %mul3A_462 = arith.constant 2051 : i32
    %mul3A_463 = vector.broadcast %mul3A_462 : i32 to vector<16xi32>
    %mul3A_464 = arith.muli %get3A_461, %mul3A_463 : vector<16xi32>
    %add3A_465 = arith.addi %get3A_458, %mul3A_464 : vector<16xi32>
    %swap3A_466 = arith.constant 26 : i32
    %swap3A_467 = arith.index_cast %swap3A_466 : i32 to index
    %swap3A_468 = arith.constant 0 : index
    %swap3A_469 = tpu.vector_load %arg8[%swap3A_467, %swap3A_468] {strides = array<i32>} : memref<64x16xi32, #tpu.memory_space<vmem>>, vector<1x16xi32>,
    %swap3A_470 = vector.shape_cast %swap3A_469 : vector<1x16xi32> to vector<16xi32>
    %swap3A_471 = vector.shape_cast %add3A_465 : vector<16xi32> to vector<1x16xi32>
    tpu.vector_store %arg8[%swap3A_467, %swap3A_468], %swap3A_471 {strides = array<i32>} : memref<64x16xi32, #tpu.memory_space<vmem>>, vector<1x16xi32>,
    %get3A_472 = arith.constant 432 : index
    %get3A_473 = tpu.vector_load %arg6[%get3A_472] {strides = array<i32>} : memref<1024xi32, #tpu.memory_space<vmem>>, vector<16xi32>,
    %get3A_474 = vector.shape_cast %get3A_473 : vector<16xi32> to vector<16xi32>
    %get3A_475 = arith.constant 432 : index
    %get3A_476 = tpu.vector_load %arg7[%get3A_475] {strides = array<i32>} : memref<1024xi32, #tpu.memory_space<vmem>>, vector<16xi32>,
    %get3A_477 = vector.shape_cast %get3A_476 : vector<16xi32> to vector<16xi32>
    %mul3A_478 = arith.constant 2051 : i32
    %mul3A_479 = vector.broadcast %mul3A_478 : i32 to vector<16xi32>
    %mul3A_480 = arith.muli %get3A_477, %mul3A_479 : vector<16xi32>
    %add3A_481 = arith.addi %get3A_474, %mul3A_480 : vector<16xi32>
    %swap3A_482 = arith.constant 27 : i32
    %swap3A_483 = arith.index_cast %swap3A_482 : i32 to index
    %swap3A_484 = arith.constant 0 : index
    %swap3A_485 = tpu.vector_load %arg8[%swap3A_483, %swap3A_484] {strides = array<i32>} : memref<64x16xi32, #tpu.memory_space<vmem>>, vector<1x16xi32>,
    %swap3A_486 = vector.shape_cast %swap3A_485 : vector<1x16xi32> to vector<16xi32>
    %swap3A_487 = vector.shape_cast %add3A_481 : vector<16xi32> to vector<1x16xi32>
    tpu.vector_store %arg8[%swap3A_483, %swap3A_484], %swap3A_487 {strides = array<i32>} : memref<64x16xi32, #tpu.memory_space<vmem>>, vector<1x16xi32>,
    %get3A_488 = arith.constant 448 : index
    %get3A_489 = tpu.vector_load %arg6[%get3A_488] {strides = array<i32>} : memref<1024xi32, #tpu.memory_space<vmem>>, vector<16xi32>,
    %get3A_490 = vector.shape_cast %get3A_489 : vector<16xi32> to vector<16xi32>
    %get3A_491 = arith.constant 448 : index
    %get3A_492 = tpu.vector_load %arg7[%get3A_491] {strides = array<i32>} : memref<1024xi32, #tpu.memory_space<vmem>>, vector<16xi32>,
    %get3A_493 = vector.shape_cast %get3A_492 : vector<16xi32> to vector<16xi32>
    %mul3A_494 = arith.constant 2051 : i32
    %mul3A_495 = vector.broadcast %mul3A_494 : i32 to vector<16xi32>
    %mul3A_496 = arith.muli %get3A_493, %mul3A_495 : vector<16xi32>
    %add3A_497 = arith.addi %get3A_490, %mul3A_496 : vector<16xi32>
    %swap3A_498 = arith.constant 28 : i32
    %swap3A_499 = arith.index_cast %swap3A_498 : i32 to index
    %swap3A_500 = arith.constant 0 : index
    %swap3A_501 = tpu.vector_load %arg8[%swap3A_499, %swap3A_500] {strides = array<i32>} : memref<64x16xi32, #tpu.memory_space<vmem>>, vector<1x16xi32>,
    %swap3A_502 = vector.shape_cast %swap3A_501 : vector<1x16xi32> to vector<16xi32>
    %swap3A_503 = vector.shape_cast %add3A_497 : vector<16xi32> to vector<1x16xi32>
    tpu.vector_store %arg8[%swap3A_499, %swap3A_500], %swap3A_503 {strides = array<i32>} : memref<64x16xi32, #tpu.memory_space<vmem>>, vector<1x16xi32>,
    %get3A_504 = arith.constant 464 : index
    %get3A_505 = tpu.vector_load %arg6[%get3A_504] {strides = array<i32>} : memref<1024xi32, #tpu.memory_space<vmem>>, vector<16xi32>,
    %get3A_506 = vector.shape_cast %get3A_505 : vector<16xi32> to vector<16xi32>
    %get3A_507 = arith.constant 464 : index
    %get3A_508 = tpu.vector_load %arg7[%get3A_507] {strides = array<i32>} : memref<1024xi32, #tpu.memory_space<vmem>>, vector<16xi32>,
    %get3A_509 = vector.shape_cast %get3A_508 : vector<16xi32> to vector<16xi32>
    %mul3A_510 = arith.constant 2051 : i32
    %mul3A_511 = vector.broadcast %mul3A_510 : i32 to vector<16xi32>
    %mul3A_512 = arith.muli %get3A_509, %mul3A_511 : vector<16xi32>
    %add3A_513 = arith.addi %get3A_506, %mul3A_512 : vector<16xi32>
    %swap3A_514 = arith.constant 29 : i32
    %swap3A_515 = arith.index_cast %swap3A_514 : i32 to index
    %swap3A_516 = arith.constant 0 : index
    %swap3A_517 = tpu.vector_load %arg8[%swap3A_515, %swap3A_516] {strides = array<i32>} : memref<64x16xi32, #tpu.memory_space<vmem>>, vector<1x16xi32>,
    %swap3A_518 = vector.shape_cast %swap3A_517 : vector<1x16xi32> to vector<16xi32>
    %swap3A_519 = vector.shape_cast %add3A_513 : vector<16xi32> to vector<1x16xi32>
    tpu.vector_store %arg8[%swap3A_515, %swap3A_516], %swap3A_519 {strides = array<i32>} : memref<64x16xi32, #tpu.memory_space<vmem>>, vector<1x16xi32>,
    %get3A_520 = arith.constant 480 : index
    %get3A_521 = tpu.vector_load %arg6[%get3A_520] {strides = array<i32>} : memref<1024xi32, #tpu.memory_space<vmem>>, vector<16xi32>,
    %get3A_522 = vector.shape_cast %get3A_521 : vector<16xi32> to vector<16xi32>
    %get3A_523 = arith.constant 480 : index
    %get3A_524 = tpu.vector_load %arg7[%get3A_523] {strides = array<i32>} : memref<1024xi32, #tpu.memory_space<vmem>>, vector<16xi32>,
    %get3A_525 = vector.shape_cast %get3A_524 : vector<16xi32> to vector<16xi32>
    %mul3A_526 = arith.constant 2051 : i32
    %mul3A_527 = vector.broadcast %mul3A_526 : i32 to vector<16xi32>
    %mul3A_528 = arith.muli %get3A_525, %mul3A_527 : vector<16xi32>
    %add3A_529 = arith.addi %get3A_522, %mul3A_528 : vector<16xi32>
    %swap3A_530 = arith.constant 30 : i32
    %swap3A_531 = arith.index_cast %swap3A_530 : i32 to index
    %swap3A_532 = arith.constant 0 : index
    %swap3A_533 = tpu.vector_load %arg8[%swap3A_531, %swap3A_532] {strides = array<i32>} : memref<64x16xi32, #tpu.memory_space<vmem>>, vector<1x16xi32>,
    %swap3A_534 = vector.shape_cast %swap3A_533 : vector<1x16xi32> to vector<16xi32>
    %swap3A_535 = vector.shape_cast %add3A_529 : vector<16xi32> to vector<1x16xi32>
    tpu.vector_store %arg8[%swap3A_531, %swap3A_532], %swap3A_535 {strides = array<i32>} : memref<64x16xi32, #tpu.memory_space<vmem>>, vector<1x16xi32>,
    %get3A_536 = arith.constant 496 : index
    %get3A_537 = tpu.vector_load %arg6[%get3A_536] {strides = array<i32>} : memref<1024xi32, #tpu.memory_space<vmem>>, vector<16xi32>,
    %get3A_538 = vector.shape_cast %get3A_537 : vector<16xi32> to vector<16xi32>
    %get3A_539 = arith.constant 496 : index
    %get3A_540 = tpu.vector_load %arg7[%get3A_539] {strides = array<i32>} : memref<1024xi32, #tpu.memory_space<vmem>>, vector<16xi32>,
    %get3A_541 = vector.shape_cast %get3A_540 : vector<16xi32> to vector<16xi32>
    %mul3A_542 = arith.constant 2051 : i32
    %mul3A_543 = vector.broadcast %mul3A_542 : i32 to vector<16xi32>
    %mul3A_544 = arith.muli %get3A_541, %mul3A_543 : vector<16xi32>
    %add3A_545 = arith.addi %get3A_538, %mul3A_544 : vector<16xi32>
    %swap3A_546 = arith.constant 31 : i32
    %swap3A_547 = arith.index_cast %swap3A_546 : i32 to index
    %swap3A_548 = arith.constant 0 : index
    %swap3A_549 = tpu.vector_load %arg8[%swap3A_547, %swap3A_548] {strides = array<i32>} : memref<64x16xi32, #tpu.memory_space<vmem>>, vector<1x16xi32>,
    %swap3A_550 = vector.shape_cast %swap3A_549 : vector<1x16xi32> to vector<16xi32>
    %swap3A_551 = vector.shape_cast %add3A_545 : vector<16xi32> to vector<1x16xi32>
    tpu.vector_store %arg8[%swap3A_547, %swap3A_548], %swap3A_551 {strides = array<i32>} : memref<64x16xi32, #tpu.memory_space<vmem>>, vector<1x16xi32>,
    %get3A_552 = arith.constant 512 : index
    %get3A_553 = tpu.vector_load %arg6[%get3A_552] {strides = array<i32>} : memref<1024xi32, #tpu.memory_space<vmem>>, vector<16xi32>,
    %get3A_554 = vector.shape_cast %get3A_553 : vector<16xi32> to vector<16xi32>
    %get3A_555 = arith.constant 512 : index
    %get3A_556 = tpu.vector_load %arg7[%get3A_555] {strides = array<i32>} : memref<1024xi32, #tpu.memory_space<vmem>>, vector<16xi32>,
    %get3A_557 = vector.shape_cast %get3A_556 : vector<16xi32> to vector<16xi32>
    %mul3A_558 = arith.constant 2051 : i32
    %mul3A_559 = vector.broadcast %mul3A_558 : i32 to vector<16xi32>
    %mul3A_560 = arith.muli %get3A_557, %mul3A_559 : vector<16xi32>
    %add3A_561 = arith.addi %get3A_554, %mul3A_560 : vector<16xi32>
    %swap3A_562 = arith.constant 32 : i32
    %swap3A_563 = arith.index_cast %swap3A_562 : i32 to index
    %swap3A_564 = arith.constant 0 : index
    %swap3A_565 = tpu.vector_load %arg8[%swap3A_563, %swap3A_564] {strides = array<i32>} : memref<64x16xi32, #tpu.memory_space<vmem>>, vector<1x16xi32>,
    %swap3A_566 = vector.shape_cast %swap3A_565 : vector<1x16xi32> to vector<16xi32>
    %swap3A_567 = vector.shape_cast %add3A_561 : vector<16xi32> to vector<1x16xi32>
    tpu.vector_store %arg8[%swap3A_563, %swap3A_564], %swap3A_567 {strides = array<i32>} : memref<64x16xi32, #tpu.memory_space<vmem>>, vector<1x16xi32>,
    %get3A_568 = arith.constant 528 : index
    %get3A_569 = tpu.vector_load %arg6[%get3A_568] {strides = array<i32>} : memref<1024xi32, #tpu.memory_space<vmem>>, vector<16xi32>,
    %get3A_570 = vector.shape_cast %get3A_569 : vector<16xi32> to vector<16xi32>
    %get3A_571 = arith.constant 528 : index
    %get3A_572 = tpu.vector_load %arg7[%get3A_571] {strides = array<i32>} : memref<1024xi32, #tpu.memory_space<vmem>>, vector<16xi32>,
    %get3A_573 = vector.shape_cast %get3A_572 : vector<16xi32> to vector<16xi32>
    %mul3A_574 = arith.constant 2051 : i32
    %mul3A_575 = vector.broadcast %mul3A_574 : i32 to vector<16xi32>
    %mul3A_576 = arith.muli %get3A_573, %mul3A_575 : vector<16xi32>
    %add3A_577 = arith.addi %get3A_570, %mul3A_576 : vector<16xi32>
    %swap3A_578 = arith.constant 33 : i32
    %swap3A_579 = arith.index_cast %swap3A_578 : i32 to index
    %swap3A_580 = arith.constant 0 : index
    %swap3A_581 = tpu.vector_load %arg8[%swap3A_579, %swap3A_580] {strides = array<i32>} : memref<64x16xi32, #tpu.memory_space<vmem>>, vector<1x16xi32>,
    %swap3A_582 = vector.shape_cast %swap3A_581 : vector<1x16xi32> to vector<16xi32>
    %swap3A_583 = vector.shape_cast %add3A_577 : vector<16xi32> to vector<1x16xi32>
    tpu.vector_store %arg8[%swap3A_579, %swap3A_580], %swap3A_583 {strides = array<i32>} : memref<64x16xi32, #tpu.memory_space<vmem>>, vector<1x16xi32>,
    %get3A_584 = arith.constant 544 : index
    %get3A_585 = tpu.vector_load %arg6[%get3A_584] {strides = array<i32>} : memref<1024xi32, #tpu.memory_space<vmem>>, vector<16xi32>,
    %get3A_586 = vector.shape_cast %get3A_585 : vector<16xi32> to vector<16xi32>
    %get3A_587 = arith.constant 544 : index
    %get3A_588 = tpu.vector_load %arg7[%get3A_587] {strides = array<i32>} : memref<1024xi32, #tpu.memory_space<vmem>>, vector<16xi32>,
    %get3A_589 = vector.shape_cast %get3A_588 : vector<16xi32> to vector<16xi32>
    %mul3A_590 = arith.constant 2051 : i32
    %mul3A_591 = vector.broadcast %mul3A_590 : i32 to vector<16xi32>
    %mul3A_592 = arith.muli %get3A_589, %mul3A_591 : vector<16xi32>
    %add3A_593 = arith.addi %get3A_586, %mul3A_592 : vector<16xi32>
    %swap3A_594 = arith.constant 34 : i32
    %swap3A_595 = arith.index_cast %swap3A_594 : i32 to index
    %swap3A_596 = arith.constant 0 : index
    %swap3A_597 = tpu.vector_load %arg8[%swap3A_595, %swap3A_596] {strides = array<i32>} : memref<64x16xi32, #tpu.memory_space<vmem>>, vector<1x16xi32>,
    %swap3A_598 = vector.shape_cast %swap3A_597 : vector<1x16xi32> to vector<16xi32>
    %swap3A_599 = vector.shape_cast %add3A_593 : vector<16xi32> to vector<1x16xi32>
    tpu.vector_store %arg8[%swap3A_595, %swap3A_596], %swap3A_599 {strides = array<i32>} : memref<64x16xi32, #tpu.memory_space<vmem>>, vector<1x16xi32>,
    %get3A_600 = arith.constant 560 : index
    %get3A_601 = tpu.vector_load %arg6[%get3A_600] {strides = array<i32>} : memref<1024xi32, #tpu.memory_space<vmem>>, vector<16xi32>,
    %get3A_602 = vector.shape_cast %get3A_601 : vector<16xi32> to vector<16xi32>
    %get3A_603 = arith.constant 560 : index
    %get3A_604 = tpu.vector_load %arg7[%get3A_603] {strides = array<i32>} : memref<1024xi32, #tpu.memory_space<vmem>>, vector<16xi32>,
    %get3A_605 = vector.shape_cast %get3A_604 : vector<16xi32> to vector<16xi32>
    %mul3A_606 = arith.constant 2051 : i32
    %mul3A_607 = vector.broadcast %mul3A_606 : i32 to vector<16xi32>
    %mul3A_608 = arith.muli %get3A_605, %mul3A_607 : vector<16xi32>
    %add3A_609 = arith.addi %get3A_602, %mul3A_608 : vector<16xi32>
    %swap3A_610 = arith.constant 35 : i32
    %swap3A_611 = arith.index_cast %swap3A_610 : i32 to index
    %swap3A_612 = arith.constant 0 : index
    %swap3A_613 = tpu.vector_load %arg8[%swap3A_611, %swap3A_612] {strides = array<i32>} : memref<64x16xi32, #tpu.memory_space<vmem>>, vector<1x16xi32>,
    %swap3A_614 = vector.shape_cast %swap3A_613 : vector<1x16xi32> to vector<16xi32>
    %swap3A_615 = vector.shape_cast %add3A_609 : vector<16xi32> to vector<1x16xi32>
    tpu.vector_store %arg8[%swap3A_611, %swap3A_612], %swap3A_615 {strides = array<i32>} : memref<64x16xi32, #tpu.memory_space<vmem>>, vector<1x16xi32>,
    %get3A_616 = arith.constant 576 : index
    %get3A_617 = tpu.vector_load %arg6[%get3A_616] {strides = array<i32>} : memref<1024xi32, #tpu.memory_space<vmem>>, vector<16xi32>,
    %get3A_618 = vector.shape_cast %get3A_617 : vector<16xi32> to vector<16xi32>
    %get3A_619 = arith.constant 576 : index
    %get3A_620 = tpu.vector_load %arg7[%get3A_619] {strides = array<i32>} : memref<1024xi32, #tpu.memory_space<vmem>>, vector<16xi32>,
    %get3A_621 = vector.shape_cast %get3A_620 : vector<16xi32> to vector<16xi32>
    %mul3A_622 = arith.constant 2051 : i32
    %mul3A_623 = vector.broadcast %mul3A_622 : i32 to vector<16xi32>
    %mul3A_624 = arith.muli %get3A_621, %mul3A_623 : vector<16xi32>
    %add3A_625 = arith.addi %get3A_618, %mul3A_624 : vector<16xi32>
    %swap3A_626 = arith.constant 36 : i32
    %swap3A_627 = arith.index_cast %swap3A_626 : i32 to index
    %swap3A_628 = arith.constant 0 : index
    %swap3A_629 = tpu.vector_load %arg8[%swap3A_627, %swap3A_628] {strides = array<i32>} : memref<64x16xi32, #tpu.memory_space<vmem>>, vector<1x16xi32>,
    %swap3A_630 = vector.shape_cast %swap3A_629 : vector<1x16xi32> to vector<16xi32>
    %swap3A_631 = vector.shape_cast %add3A_625 : vector<16xi32> to vector<1x16xi32>
    tpu.vector_store %arg8[%swap3A_627, %swap3A_628], %swap3A_631 {strides = array<i32>} : memref<64x16xi32, #tpu.memory_space<vmem>>, vector<1x16xi32>,
    %get3A_632 = arith.constant 592 : index
    %get3A_633 = tpu.vector_load %arg6[%get3A_632] {strides = array<i32>} : memref<1024xi32, #tpu.memory_space<vmem>>, vector<16xi32>,
    %get3A_634 = vector.shape_cast %get3A_633 : vector<16xi32> to vector<16xi32>
    %get3A_635 = arith.constant 592 : index
    %get3A_636 = tpu.vector_load %arg7[%get3A_635] {strides = array<i32>} : memref<1024xi32, #tpu.memory_space<vmem>>, vector<16xi32>,
    %get3A_637 = vector.shape_cast %get3A_636 : vector<16xi32> to vector<16xi32>
    %mul3A_638 = arith.constant 2051 : i32
    %mul3A_639 = vector.broadcast %mul3A_638 : i32 to vector<16xi32>
    %mul3A_640 = arith.muli %get3A_637, %mul3A_639 : vector<16xi32>
    %add3A_641 = arith.addi %get3A_634, %mul3A_640 : vector<16xi32>
    %swap3A_642 = arith.constant 37 : i32
    %swap3A_643 = arith.index_cast %swap3A_642 : i32 to index
    %swap3A_644 = arith.constant 0 : index
    %swap3A_645 = tpu.vector_load %arg8[%swap3A_643, %swap3A_644] {strides = array<i32>} : memref<64x16xi32, #tpu.memory_space<vmem>>, vector<1x16xi32>,
    %swap3A_646 = vector.shape_cast %swap3A_645 : vector<1x16xi32> to vector<16xi32>
    %swap3A_647 = vector.shape_cast %add3A_641 : vector<16xi32> to vector<1x16xi32>
    tpu.vector_store %arg8[%swap3A_643, %swap3A_644], %swap3A_647 {strides = array<i32>} : memref<64x16xi32, #tpu.memory_space<vmem>>, vector<1x16xi32>,
    %get3A_648 = arith.constant 608 : index
    %get3A_649 = tpu.vector_load %arg6[%get3A_648] {strides = array<i32>} : memref<1024xi32, #tpu.memory_space<vmem>>, vector<16xi32>,
    %get3A_650 = vector.shape_cast %get3A_649 : vector<16xi32> to vector<16xi32>
    %get3A_651 = arith.constant 608 : index
    %get3A_652 = tpu.vector_load %arg7[%get3A_651] {strides = array<i32>} : memref<1024xi32, #tpu.memory_space<vmem>>, vector<16xi32>,
    %get3A_653 = vector.shape_cast %get3A_652 : vector<16xi32> to vector<16xi32>
    %mul3A_654 = arith.constant 2051 : i32
    %mul3A_655 = vector.broadcast %mul3A_654 : i32 to vector<16xi32>
    %mul3A_656 = arith.muli %get3A_653, %mul3A_655 : vector<16xi32>
    %add3A_657 = arith.addi %get3A_650, %mul3A_656 : vector<16xi32>
    %swap3A_658 = arith.constant 38 : i32
    %swap3A_659 = arith.index_cast %swap3A_658 : i32 to index
    %swap3A_660 = arith.constant 0 : index
    %swap3A_661 = tpu.vector_load %arg8[%swap3A_659, %swap3A_660] {strides = array<i32>} : memref<64x16xi32, #tpu.memory_space<vmem>>, vector<1x16xi32>,
    %swap3A_662 = vector.shape_cast %swap3A_661 : vector<1x16xi32> to vector<16xi32>
    %swap3A_663 = vector.shape_cast %add3A_657 : vector<16xi32> to vector<1x16xi32>
    tpu.vector_store %arg8[%swap3A_659, %swap3A_660], %swap3A_663 {strides = array<i32>} : memref<64x16xi32, #tpu.memory_space<vmem>>, vector<1x16xi32>,
    %get3A_664 = arith.constant 624 : index
    %get3A_665 = tpu.vector_load %arg6[%get3A_664] {strides = array<i32>} : memref<1024xi32, #tpu.memory_space<vmem>>, vector<16xi32>,
    %get3A_666 = vector.shape_cast %get3A_665 : vector<16xi32> to vector<16xi32>
    %get3A_667 = arith.constant 624 : index
    %get3A_668 = tpu.vector_load %arg7[%get3A_667] {strides = array<i32>} : memref<1024xi32, #tpu.memory_space<vmem>>, vector<16xi32>,
    %get3A_669 = vector.shape_cast %get3A_668 : vector<16xi32> to vector<16xi32>
    %mul3A_670 = arith.constant 2051 : i32
    %mul3A_671 = vector.broadcast %mul3A_670 : i32 to vector<16xi32>
    %mul3A_672 = arith.muli %get3A_669, %mul3A_671 : vector<16xi32>
    %add3A_673 = arith.addi %get3A_666, %mul3A_672 : vector<16xi32>
    %swap3A_674 = arith.constant 39 : i32
    %swap3A_675 = arith.index_cast %swap3A_674 : i32 to index
    %swap3A_676 = arith.constant 0 : index
    %swap3A_677 = tpu.vector_load %arg8[%swap3A_675, %swap3A_676] {strides = array<i32>} : memref<64x16xi32, #tpu.memory_space<vmem>>, vector<1x16xi32>,
    %swap3A_678 = vector.shape_cast %swap3A_677 : vector<1x16xi32> to vector<16xi32>
    %swap3A_679 = vector.shape_cast %add3A_673 : vector<16xi32> to vector<1x16xi32>
    tpu.vector_store %arg8[%swap3A_675, %swap3A_676], %swap3A_679 {strides = array<i32>} : memref<64x16xi32, #tpu.memory_space<vmem>>, vector<1x16xi32>,
    %get3A_680 = arith.constant 640 : index
    %get3A_681 = tpu.vector_load %arg6[%get3A_680] {strides = array<i32>} : memref<1024xi32, #tpu.memory_space<vmem>>, vector<16xi32>,
    %get3A_682 = vector.shape_cast %get3A_681 : vector<16xi32> to vector<16xi32>
    %get3A_683 = arith.constant 640 : index
    %get3A_684 = tpu.vector_load %arg7[%get3A_683] {strides = array<i32>} : memref<1024xi32, #tpu.memory_space<vmem>>, vector<16xi32>,
    %get3A_685 = vector.shape_cast %get3A_684 : vector<16xi32> to vector<16xi32>
    %mul3A_686 = arith.constant 2051 : i32
    %mul3A_687 = vector.broadcast %mul3A_686 : i32 to vector<16xi32>
    %mul3A_688 = arith.muli %get3A_685, %mul3A_687 : vector<16xi32>
    %add3A_689 = arith.addi %get3A_682, %mul3A_688 : vector<16xi32>
    %swap3A_690 = arith.constant 40 : i32
    %swap3A_691 = arith.index_cast %swap3A_690 : i32 to index
    %swap3A_692 = arith.constant 0 : index
    %swap3A_693 = tpu.vector_load %arg8[%swap3A_691, %swap3A_692] {strides = array<i32>} : memref<64x16xi32, #tpu.memory_space<vmem>>, vector<1x16xi32>,
    %swap3A_694 = vector.shape_cast %swap3A_693 : vector<1x16xi32> to vector<16xi32>
    %swap3A_695 = vector.shape_cast %add3A_689 : vector<16xi32> to vector<1x16xi32>
    tpu.vector_store %arg8[%swap3A_691, %swap3A_692], %swap3A_695 {strides = array<i32>} : memref<64x16xi32, #tpu.memory_space<vmem>>, vector<1x16xi32>,
    %get3A_696 = arith.constant 656 : index
    %get3A_697 = tpu.vector_load %arg6[%get3A_696] {strides = array<i32>} : memref<1024xi32, #tpu.memory_space<vmem>>, vector<16xi32>,
    %get3A_698 = vector.shape_cast %get3A_697 : vector<16xi32> to vector<16xi32>
    %get3A_699 = arith.constant 656 : index
    %get3A_700 = tpu.vector_load %arg7[%get3A_699] {strides = array<i32>} : memref<1024xi32, #tpu.memory_space<vmem>>, vector<16xi32>,
    %get3A_701 = vector.shape_cast %get3A_700 : vector<16xi32> to vector<16xi32>
    %mul3A_702 = arith.constant 2051 : i32
    %mul3A_703 = vector.broadcast %mul3A_702 : i32 to vector<16xi32>
    %mul3A_704 = arith.muli %get3A_701, %mul3A_703 : vector<16xi32>
    %add3A_705 = arith.addi %get3A_698, %mul3A_704 : vector<16xi32>
    %swap3A_706 = arith.constant 41 : i32
    %swap3A_707 = arith.index_cast %swap3A_706 : i32 to index
    %swap3A_708 = arith.constant 0 : index
    %swap3A_709 = tpu.vector_load %arg8[%swap3A_707, %swap3A_708] {strides = array<i32>} : memref<64x16xi32, #tpu.memory_space<vmem>>, vector<1x16xi32>,
    %swap3A_710 = vector.shape_cast %swap3A_709 : vector<1x16xi32> to vector<16xi32>
    %swap3A_711 = vector.shape_cast %add3A_705 : vector<16xi32> to vector<1x16xi32>
    tpu.vector_store %arg8[%swap3A_707, %swap3A_708], %swap3A_711 {strides = array<i32>} : memref<64x16xi32, #tpu.memory_space<vmem>>, vector<1x16xi32>,
    %get3A_712 = arith.constant 672 : index
    %get3A_713 = tpu.vector_load %arg6[%get3A_712] {strides = array<i32>} : memref<1024xi32, #tpu.memory_space<vmem>>, vector<16xi32>,
    %get3A_714 = vector.shape_cast %get3A_713 : vector<16xi32> to vector<16xi32>
    %get3A_715 = arith.constant 672 : index
    %get3A_716 = tpu.vector_load %arg7[%get3A_715] {strides = array<i32>} : memref<1024xi32, #tpu.memory_space<vmem>>, vector<16xi32>,
    %get3A_717 = vector.shape_cast %get3A_716 : vector<16xi32> to vector<16xi32>
    %mul3A_718 = arith.constant 2051 : i32
    %mul3A_719 = vector.broadcast %mul3A_718 : i32 to vector<16xi32>
    %mul3A_720 = arith.muli %get3A_717, %mul3A_719 : vector<16xi32>
    %add3A_721 = arith.addi %get3A_714, %mul3A_720 : vector<16xi32>
    %swap3A_722 = arith.constant 42 : i32
    %swap3A_723 = arith.index_cast %swap3A_722 : i32 to index
    %swap3A_724 = arith.constant 0 : index
    %swap3A_725 = tpu.vector_load %arg8[%swap3A_723, %swap3A_724] {strides = array<i32>} : memref<64x16xi32, #tpu.memory_space<vmem>>, vector<1x16xi32>,
    %swap3A_726 = vector.shape_cast %swap3A_725 : vector<1x16xi32> to vector<16xi32>
    %swap3A_727 = vector.shape_cast %add3A_721 : vector<16xi32> to vector<1x16xi32>
    tpu.vector_store %arg8[%swap3A_723, %swap3A_724], %swap3A_727 {strides = array<i32>} : memref<64x16xi32, #tpu.memory_space<vmem>>, vector<1x16xi32>,
    %get3A_728 = arith.constant 688 : index
    %get3A_729 = tpu.vector_load %arg6[%get3A_728] {strides = array<i32>} : memref<1024xi32, #tpu.memory_space<vmem>>, vector<16xi32>,
    %get3A_730 = vector.shape_cast %get3A_729 : vector<16xi32> to vector<16xi32>
    %get3A_731 = arith.constant 688 : index
    %get3A_732 = tpu.vector_load %arg7[%get3A_731] {strides = array<i32>} : memref<1024xi32, #tpu.memory_space<vmem>>, vector<16xi32>,
    %get3A_733 = vector.shape_cast %get3A_732 : vector<16xi32> to vector<16xi32>
    %mul3A_734 = arith.constant 2051 : i32
    %mul3A_735 = vector.broadcast %mul3A_734 : i32 to vector<16xi32>
    %mul3A_736 = arith.muli %get3A_733, %mul3A_735 : vector<16xi32>
    %add3A_737 = arith.addi %get3A_730, %mul3A_736 : vector<16xi32>
    %swap3A_738 = arith.constant 43 : i32
    %swap3A_739 = arith.index_cast %swap3A_738 : i32 to index
    %swap3A_740 = arith.constant 0 : index
    %swap3A_741 = tpu.vector_load %arg8[%swap3A_739, %swap3A_740] {strides = array<i32>} : memref<64x16xi32, #tpu.memory_space<vmem>>, vector<1x16xi32>,
    %swap3A_742 = vector.shape_cast %swap3A_741 : vector<1x16xi32> to vector<16xi32>
    %swap3A_743 = vector.shape_cast %add3A_737 : vector<16xi32> to vector<1x16xi32>
    tpu.vector_store %arg8[%swap3A_739, %swap3A_740], %swap3A_743 {strides = array<i32>} : memref<64x16xi32, #tpu.memory_space<vmem>>, vector<1x16xi32>,
    %get3A_744 = arith.constant 704 : index
    %get3A_745 = tpu.vector_load %arg6[%get3A_744] {strides = array<i32>} : memref<1024xi32, #tpu.memory_space<vmem>>, vector<16xi32>,
    %get3A_746 = vector.shape_cast %get3A_745 : vector<16xi32> to vector<16xi32>
    %get3A_747 = arith.constant 704 : index
    %get3A_748 = tpu.vector_load %arg7[%get3A_747] {strides = array<i32>} : memref<1024xi32, #tpu.memory_space<vmem>>, vector<16xi32>,
    %get3A_749 = vector.shape_cast %get3A_748 : vector<16xi32> to vector<16xi32>
    %mul3A_750 = arith.constant 2051 : i32
    %mul3A_751 = vector.broadcast %mul3A_750 : i32 to vector<16xi32>
    %mul3A_752 = arith.muli %get3A_749, %mul3A_751 : vector<16xi32>
    %add3A_753 = arith.addi %get3A_746, %mul3A_752 : vector<16xi32>
    %swap3A_754 = arith.constant 44 : i32
    %swap3A_755 = arith.index_cast %swap3A_754 : i32 to index
    %swap3A_756 = arith.constant 0 : index
    %swap3A_757 = tpu.vector_load %arg8[%swap3A_755, %swap3A_756] {strides = array<i32>} : memref<64x16xi32, #tpu.memory_space<vmem>>, vector<1x16xi32>,
    %swap3A_758 = vector.shape_cast %swap3A_757 : vector<1x16xi32> to vector<16xi32>
    %swap3A_759 = vector.shape_cast %add3A_753 : vector<16xi32> to vector<1x16xi32>
    tpu.vector_store %arg8[%swap3A_755, %swap3A_756], %swap3A_759 {strides = array<i32>} : memref<64x16xi32, #tpu.memory_space<vmem>>, vector<1x16xi32>,
    %get3A_760 = arith.constant 720 : index
    %get3A_761 = tpu.vector_load %arg6[%get3A_760] {strides = array<i32>} : memref<1024xi32, #tpu.memory_space<vmem>>, vector<16xi32>,
    %get3A_762 = vector.shape_cast %get3A_761 : vector<16xi32> to vector<16xi32>
    %get3A_763 = arith.constant 720 : index
    %get3A_764 = tpu.vector_load %arg7[%get3A_763] {strides = array<i32>} : memref<1024xi32, #tpu.memory_space<vmem>>, vector<16xi32>,
    %get3A_765 = vector.shape_cast %get3A_764 : vector<16xi32> to vector<16xi32>
    %mul3A_766 = arith.constant 2051 : i32
    %mul3A_767 = vector.broadcast %mul3A_766 : i32 to vector<16xi32>
    %mul3A_768 = arith.muli %get3A_765, %mul3A_767 : vector<16xi32>
    %add3A_769 = arith.addi %get3A_762, %mul3A_768 : vector<16xi32>
    %swap3A_770 = arith.constant 45 : i32
    %swap3A_771 = arith.index_cast %swap3A_770 : i32 to index
    %swap3A_772 = arith.constant 0 : index
    %swap3A_773 = tpu.vector_load %arg8[%swap3A_771, %swap3A_772] {strides = array<i32>} : memref<64x16xi32, #tpu.memory_space<vmem>>, vector<1x16xi32>,
    %swap3A_774 = vector.shape_cast %swap3A_773 : vector<1x16xi32> to vector<16xi32>
    %swap3A_775 = vector.shape_cast %add3A_769 : vector<16xi32> to vector<1x16xi32>
    tpu.vector_store %arg8[%swap3A_771, %swap3A_772], %swap3A_775 {strides = array<i32>} : memref<64x16xi32, #tpu.memory_space<vmem>>, vector<1x16xi32>,
    %get3A_776 = arith.constant 736 : index
    %get3A_777 = tpu.vector_load %arg6[%get3A_776] {strides = array<i32>} : memref<1024xi32, #tpu.memory_space<vmem>>, vector<16xi32>,
    %get3A_778 = vector.shape_cast %get3A_777 : vector<16xi32> to vector<16xi32>
    %get3A_779 = arith.constant 736 : index
    %get3A_780 = tpu.vector_load %arg7[%get3A_779] {strides = array<i32>} : memref<1024xi32, #tpu.memory_space<vmem>>, vector<16xi32>,
    %get3A_781 = vector.shape_cast %get3A_780 : vector<16xi32> to vector<16xi32>
    %mul3A_782 = arith.constant 2051 : i32
    %mul3A_783 = vector.broadcast %mul3A_782 : i32 to vector<16xi32>
    %mul3A_784 = arith.muli %get3A_781, %mul3A_783 : vector<16xi32>
    %add3A_785 = arith.addi %get3A_778, %mul3A_784 : vector<16xi32>
    %swap3A_786 = arith.constant 46 : i32
    %swap3A_787 = arith.index_cast %swap3A_786 : i32 to index
    %swap3A_788 = arith.constant 0 : index
    %swap3A_789 = tpu.vector_load %arg8[%swap3A_787, %swap3A_788] {strides = array<i32>} : memref<64x16xi32, #tpu.memory_space<vmem>>, vector<1x16xi32>,
    %swap3A_790 = vector.shape_cast %swap3A_789 : vector<1x16xi32> to vector<16xi32>
    %swap3A_791 = vector.shape_cast %add3A_785 : vector<16xi32> to vector<1x16xi32>
    tpu.vector_store %arg8[%swap3A_787, %swap3A_788], %swap3A_791 {strides = array<i32>} : memref<64x16xi32, #tpu.memory_space<vmem>>, vector<1x16xi32>,
    %get3A_792 = arith.constant 752 : index
    %get3A_793 = tpu.vector_load %arg6[%get3A_792] {strides = array<i32>} : memref<1024xi32, #tpu.memory_space<vmem>>, vector<16xi32>,
    %get3A_794 = vector.shape_cast %get3A_793 : vector<16xi32> to vector<16xi32>
    %get3A_795 = arith.constant 752 : index
    %get3A_796 = tpu.vector_load %arg7[%get3A_795] {strides = array<i32>} : memref<1024xi32, #tpu.memory_space<vmem>>, vector<16xi32>,
    %get3A_797 = vector.shape_cast %get3A_796 : vector<16xi32> to vector<16xi32>
    %mul3A_798 = arith.constant 2051 : i32
    %mul3A_799 = vector.broadcast %mul3A_798 : i32 to vector<16xi32>
    %mul3A_800 = arith.muli %get3A_797, %mul3A_799 : vector<16xi32>
    %add3A_801 = arith.addi %get3A_794, %mul3A_800 : vector<16xi32>
    %swap3A_802 = arith.constant 47 : i32
    %swap3A_803 = arith.index_cast %swap3A_802 : i32 to index
    %swap3A_804 = arith.constant 0 : index
    %swap3A_805 = tpu.vector_load %arg8[%swap3A_803, %swap3A_804] {strides = array<i32>} : memref<64x16xi32, #tpu.memory_space<vmem>>, vector<1x16xi32>,
    %swap3A_806 = vector.shape_cast %swap3A_805 : vector<1x16xi32> to vector<16xi32>
    %swap3A_807 = vector.shape_cast %add3A_801 : vector<16xi32> to vector<1x16xi32>
    tpu.vector_store %arg8[%swap3A_803, %swap3A_804], %swap3A_807 {strides = array<i32>} : memref<64x16xi32, #tpu.memory_space<vmem>>, vector<1x16xi32>,
    %get3A_808 = arith.constant 768 : index
    %get3A_809 = tpu.vector_load %arg6[%get3A_808] {strides = array<i32>} : memref<1024xi32, #tpu.memory_space<vmem>>, vector<16xi32>,
    %get3A_810 = vector.shape_cast %get3A_809 : vector<16xi32> to vector<16xi32>
    %get3A_811 = arith.constant 768 : index
    %get3A_812 = tpu.vector_load %arg7[%get3A_811] {strides = array<i32>} : memref<1024xi32, #tpu.memory_space<vmem>>, vector<16xi32>,
    %get3A_813 = vector.shape_cast %get3A_812 : vector<16xi32> to vector<16xi32>
    %mul3A_814 = arith.constant 2051 : i32
    %mul3A_815 = vector.broadcast %mul3A_814 : i32 to vector<16xi32>
    %mul3A_816 = arith.muli %get3A_813, %mul3A_815 : vector<16xi32>
    %add3A_817 = arith.addi %get3A_810, %mul3A_816 : vector<16xi32>
    %swap3A_818 = arith.constant 48 : i32
    %swap3A_819 = arith.index_cast %swap3A_818 : i32 to index
    %swap3A_820 = arith.constant 0 : index
    %swap3A_821 = tpu.vector_load %arg8[%swap3A_819, %swap3A_820] {strides = array<i32>} : memref<64x16xi32, #tpu.memory_space<vmem>>, vector<1x16xi32>,
    %swap3A_822 = vector.shape_cast %swap3A_821 : vector<1x16xi32> to vector<16xi32>
    %swap3A_823 = vector.shape_cast %add3A_817 : vector<16xi32> to vector<1x16xi32>
    tpu.vector_store %arg8[%swap3A_819, %swap3A_820], %swap3A_823 {strides = array<i32>} : memref<64x16xi32, #tpu.memory_space<vmem>>, vector<1x16xi32>,
    %get3A_824 = arith.constant 784 : index
    %get3A_825 = tpu.vector_load %arg6[%get3A_824] {strides = array<i32>} : memref<1024xi32, #tpu.memory_space<vmem>>, vector<16xi32>,
    %get3A_826 = vector.shape_cast %get3A_825 : vector<16xi32> to vector<16xi32>
    %get3A_827 = arith.constant 784 : index
    %get3A_828 = tpu.vector_load %arg7[%get3A_827] {strides = array<i32>} : memref<1024xi32, #tpu.memory_space<vmem>>, vector<16xi32>,
    %get3A_829 = vector.shape_cast %get3A_828 : vector<16xi32> to vector<16xi32>
    %mul3A_830 = arith.constant 2051 : i32
    %mul3A_831 = vector.broadcast %mul3A_830 : i32 to vector<16xi32>
    %mul3A_832 = arith.muli %get3A_829, %mul3A_831 : vector<16xi32>
    %add3A_833 = arith.addi %get3A_826, %mul3A_832 : vector<16xi32>
    %swap3A_834 = arith.constant 49 : i32
    %swap3A_835 = arith.index_cast %swap3A_834 : i32 to index
    %swap3A_836 = arith.constant 0 : index
    %swap3A_837 = tpu.vector_load %arg8[%swap3A_835, %swap3A_836] {strides = array<i32>} : memref<64x16xi32, #tpu.memory_space<vmem>>, vector<1x16xi32>,
    %swap3A_838 = vector.shape_cast %swap3A_837 : vector<1x16xi32> to vector<16xi32>
    %swap3A_839 = vector.shape_cast %add3A_833 : vector<16xi32> to vector<1x16xi32>
    tpu.vector_store %arg8[%swap3A_835, %swap3A_836], %swap3A_839 {strides = array<i32>} : memref<64x16xi32, #tpu.memory_space<vmem>>, vector<1x16xi32>,
    %get3A_840 = arith.constant 800 : index
    %get3A_841 = tpu.vector_load %arg6[%get3A_840] {strides = array<i32>} : memref<1024xi32, #tpu.memory_space<vmem>>, vector<16xi32>,
    %get3A_842 = vector.shape_cast %get3A_841 : vector<16xi32> to vector<16xi32>
    %get3A_843 = arith.constant 800 : index
    %get3A_844 = tpu.vector_load %arg7[%get3A_843] {strides = array<i32>} : memref<1024xi32, #tpu.memory_space<vmem>>, vector<16xi32>,
    %get3A_845 = vector.shape_cast %get3A_844 : vector<16xi32> to vector<16xi32>
    %mul3A_846 = arith.constant 2051 : i32
    %mul3A_847 = vector.broadcast %mul3A_846 : i32 to vector<16xi32>
    %mul3A_848 = arith.muli %get3A_845, %mul3A_847 : vector<16xi32>
    %add3A_849 = arith.addi %get3A_842, %mul3A_848 : vector<16xi32>
    %swap3A_850 = arith.constant 50 : i32
    %swap3A_851 = arith.index_cast %swap3A_850 : i32 to index
    %swap3A_852 = arith.constant 0 : index
    %swap3A_853 = tpu.vector_load %arg8[%swap3A_851, %swap3A_852] {strides = array<i32>} : memref<64x16xi32, #tpu.memory_space<vmem>>, vector<1x16xi32>,
    %swap3A_854 = vector.shape_cast %swap3A_853 : vector<1x16xi32> to vector<16xi32>
    %swap3A_855 = vector.shape_cast %add3A_849 : vector<16xi32> to vector<1x16xi32>
    tpu.vector_store %arg8[%swap3A_851, %swap3A_852], %swap3A_855 {strides = array<i32>} : memref<64x16xi32, #tpu.memory_space<vmem>>, vector<1x16xi32>,
    %get3A_856 = arith.constant 816 : index
    %get3A_857 = tpu.vector_load %arg6[%get3A_856] {strides = array<i32>} : memref<1024xi32, #tpu.memory_space<vmem>>, vector<16xi32>,
    %get3A_858 = vector.shape_cast %get3A_857 : vector<16xi32> to vector<16xi32>
    %get3A_859 = arith.constant 816 : index
    %get3A_860 = tpu.vector_load %arg7[%get3A_859] {strides = array<i32>} : memref<1024xi32, #tpu.memory_space<vmem>>, vector<16xi32>,
    %get3A_861 = vector.shape_cast %get3A_860 : vector<16xi32> to vector<16xi32>
    %mul3A_862 = arith.constant 2051 : i32
    %mul3A_863 = vector.broadcast %mul3A_862 : i32 to vector<16xi32>
    %mul3A_864 = arith.muli %get3A_861, %mul3A_863 : vector<16xi32>
    %add3A_865 = arith.addi %get3A_858, %mul3A_864 : vector<16xi32>
    %swap3A_866 = arith.constant 51 : i32
    %swap3A_867 = arith.index_cast %swap3A_866 : i32 to index
    %swap3A_868 = arith.constant 0 : index
    %swap3A_869 = tpu.vector_load %arg8[%swap3A_867, %swap3A_868] {strides = array<i32>} : memref<64x16xi32, #tpu.memory_space<vmem>>, vector<1x16xi32>,
    %swap3A_870 = vector.shape_cast %swap3A_869 : vector<1x16xi32> to vector<16xi32>
    %swap3A_871 = vector.shape_cast %add3A_865 : vector<16xi32> to vector<1x16xi32>
    tpu.vector_store %arg8[%swap3A_867, %swap3A_868], %swap3A_871 {strides = array<i32>} : memref<64x16xi32, #tpu.memory_space<vmem>>, vector<1x16xi32>,
    %get3A_872 = arith.constant 832 : index
    %get3A_873 = tpu.vector_load %arg6[%get3A_872] {strides = array<i32>} : memref<1024xi32, #tpu.memory_space<vmem>>, vector<16xi32>,
    %get3A_874 = vector.shape_cast %get3A_873 : vector<16xi32> to vector<16xi32>
    %get3A_875 = arith.constant 832 : index
    %get3A_876 = tpu.vector_load %arg7[%get3A_875] {strides = array<i32>} : memref<1024xi32, #tpu.memory_space<vmem>>, vector<16xi32>,
    %get3A_877 = vector.shape_cast %get3A_876 : vector<16xi32> to vector<16xi32>
    %mul3A_878 = arith.constant 2051 : i32
    %mul3A_879 = vector.broadcast %mul3A_878 : i32 to vector<16xi32>
    %mul3A_880 = arith.muli %get3A_877, %mul3A_879 : vector<16xi32>
    %add3A_881 = arith.addi %get3A_874, %mul3A_880 : vector<16xi32>
    %swap3A_882 = arith.constant 52 : i32
    %swap3A_883 = arith.index_cast %swap3A_882 : i32 to index
    %swap3A_884 = arith.constant 0 : index
    %swap3A_885 = tpu.vector_load %arg8[%swap3A_883, %swap3A_884] {strides = array<i32>} : memref<64x16xi32, #tpu.memory_space<vmem>>, vector<1x16xi32>,
    %swap3A_886 = vector.shape_cast %swap3A_885 : vector<1x16xi32> to vector<16xi32>
    %swap3A_887 = vector.shape_cast %add3A_881 : vector<16xi32> to vector<1x16xi32>
    tpu.vector_store %arg8[%swap3A_883, %swap3A_884], %swap3A_887 {strides = array<i32>} : memref<64x16xi32, #tpu.memory_space<vmem>>, vector<1x16xi32>,
    %get3A_888 = arith.constant 848 : index
    %get3A_889 = tpu.vector_load %arg6[%get3A_888] {strides = array<i32>} : memref<1024xi32, #tpu.memory_space<vmem>>, vector<16xi32>,
    %get3A_890 = vector.shape_cast %get3A_889 : vector<16xi32> to vector<16xi32>
    %get3A_891 = arith.constant 848 : index
    %get3A_892 = tpu.vector_load %arg7[%get3A_891] {strides = array<i32>} : memref<1024xi32, #tpu.memory_space<vmem>>, vector<16xi32>,
    %get3A_893 = vector.shape_cast %get3A_892 : vector<16xi32> to vector<16xi32>
    %mul3A_894 = arith.constant 2051 : i32
    %mul3A_895 = vector.broadcast %mul3A_894 : i32 to vector<16xi32>
    %mul3A_896 = arith.muli %get3A_893, %mul3A_895 : vector<16xi32>
    %add3A_897 = arith.addi %get3A_890, %mul3A_896 : vector<16xi32>
    %swap3A_898 = arith.constant 53 : i32
    %swap3A_899 = arith.index_cast %swap3A_898 : i32 to index
    %swap3A_900 = arith.constant 0 : index
    %swap3A_901 = tpu.vector_load %arg8[%swap3A_899, %swap3A_900] {strides = array<i32>} : memref<64x16xi32, #tpu.memory_space<vmem>>, vector<1x16xi32>,
    %swap3A_902 = vector.shape_cast %swap3A_901 : vector<1x16xi32> to vector<16xi32>
    %swap3A_903 = vector.shape_cast %add3A_897 : vector<16xi32> to vector<1x16xi32>
    tpu.vector_store %arg8[%swap3A_899, %swap3A_900], %swap3A_903 {strides = array<i32>} : memref<64x16xi32, #tpu.memory_space<vmem>>, vector<1x16xi32>,
    %get3A_904 = arith.constant 864 : index
    %get3A_905 = tpu.vector_load %arg6[%get3A_904] {strides = array<i32>} : memref<1024xi32, #tpu.memory_space<vmem>>, vector<16xi32>,
    %get3A_906 = vector.shape_cast %get3A_905 : vector<16xi32> to vector<16xi32>
    %get3A_907 = arith.constant 864 : index
    %get3A_908 = tpu.vector_load %arg7[%get3A_907] {strides = array<i32>} : memref<1024xi32, #tpu.memory_space<vmem>>, vector<16xi32>,
    %get3A_909 = vector.shape_cast %get3A_908 : vector<16xi32> to vector<16xi32>
    %mul3A_910 = arith.constant 2051 : i32
    %mul3A_911 = vector.broadcast %mul3A_910 : i32 to vector<16xi32>
    %mul3A_912 = arith.muli %get3A_909, %mul3A_911 : vector<16xi32>
    %add3A_913 = arith.addi %get3A_906, %mul3A_912 : vector<16xi32>
    %swap3A_914 = arith.constant 54 : i32
    %swap3A_915 = arith.index_cast %swap3A_914 : i32 to index
    %swap3A_916 = arith.constant 0 : index
    %swap3A_917 = tpu.vector_load %arg8[%swap3A_915, %swap3A_916] {strides = array<i32>} : memref<64x16xi32, #tpu.memory_space<vmem>>, vector<1x16xi32>,
    %swap3A_918 = vector.shape_cast %swap3A_917 : vector<1x16xi32> to vector<16xi32>
    %swap3A_919 = vector.shape_cast %add3A_913 : vector<16xi32> to vector<1x16xi32>
    tpu.vector_store %arg8[%swap3A_915, %swap3A_916], %swap3A_919 {strides = array<i32>} : memref<64x16xi32, #tpu.memory_space<vmem>>, vector<1x16xi32>,
    %get3A_920 = arith.constant 880 : index
    %get3A_921 = tpu.vector_load %arg6[%get3A_920] {strides = array<i32>} : memref<1024xi32, #tpu.memory_space<vmem>>, vector<16xi32>,
    %get3A_922 = vector.shape_cast %get3A_921 : vector<16xi32> to vector<16xi32>
    %get3A_923 = arith.constant 880 : index
    %get3A_924 = tpu.vector_load %arg7[%get3A_923] {strides = array<i32>} : memref<1024xi32, #tpu.memory_space<vmem>>, vector<16xi32>,
    %get3A_925 = vector.shape_cast %get3A_924 : vector<16xi32> to vector<16xi32>
    %mul3A_926 = arith.constant 2051 : i32
    %mul3A_927 = vector.broadcast %mul3A_926 : i32 to vector<16xi32>
    %mul3A_928 = arith.muli %get3A_925, %mul3A_927 : vector<16xi32>
    %add3A_929 = arith.addi %get3A_922, %mul3A_928 : vector<16xi32>
    %swap3A_930 = arith.constant 55 : i32
    %swap3A_931 = arith.index_cast %swap3A_930 : i32 to index
    %swap3A_932 = arith.constant 0 : index
    %swap3A_933 = tpu.vector_load %arg8[%swap3A_931, %swap3A_932] {strides = array<i32>} : memref<64x16xi32, #tpu.memory_space<vmem>>, vector<1x16xi32>,
    %swap3A_934 = vector.shape_cast %swap3A_933 : vector<1x16xi32> to vector<16xi32>
    %swap3A_935 = vector.shape_cast %add3A_929 : vector<16xi32> to vector<1x16xi32>
    tpu.vector_store %arg8[%swap3A_931, %swap3A_932], %swap3A_935 {strides = array<i32>} : memref<64x16xi32, #tpu.memory_space<vmem>>, vector<1x16xi32>,
    %get3A_936 = arith.constant 896 : index
    %get3A_937 = tpu.vector_load %arg6[%get3A_936] {strides = array<i32>} : memref<1024xi32, #tpu.memory_space<vmem>>, vector<16xi32>,
    %get3A_938 = vector.shape_cast %get3A_937 : vector<16xi32> to vector<16xi32>
    %get3A_939 = arith.constant 896 : index
    %get3A_940 = tpu.vector_load %arg7[%get3A_939] {strides = array<i32>} : memref<1024xi32, #tpu.memory_space<vmem>>, vector<16xi32>,
    %get3A_941 = vector.shape_cast %get3A_940 : vector<16xi32> to vector<16xi32>
    %mul3A_942 = arith.constant 2051 : i32
    %mul3A_943 = vector.broadcast %mul3A_942 : i32 to vector<16xi32>
    %mul3A_944 = arith.muli %get3A_941, %mul3A_943 : vector<16xi32>
    %add3A_945 = arith.addi %get3A_938, %mul3A_944 : vector<16xi32>
    %swap3A_946 = arith.constant 56 : i32
    %swap3A_947 = arith.index_cast %swap3A_946 : i32 to index
    %swap3A_948 = arith.constant 0 : index
    %swap3A_949 = tpu.vector_load %arg8[%swap3A_947, %swap3A_948] {strides = array<i32>} : memref<64x16xi32, #tpu.memory_space<vmem>>, vector<1x16xi32>,
    %swap3A_950 = vector.shape_cast %swap3A_949 : vector<1x16xi32> to vector<16xi32>
    %swap3A_951 = vector.shape_cast %add3A_945 : vector<16xi32> to vector<1x16xi32>
    tpu.vector_store %arg8[%swap3A_947, %swap3A_948], %swap3A_951 {strides = array<i32>} : memref<64x16xi32, #tpu.memory_space<vmem>>, vector<1x16xi32>,
    %get3A_952 = arith.constant 912 : index
    %get3A_953 = tpu.vector_load %arg6[%get3A_952] {strides = array<i32>} : memref<1024xi32, #tpu.memory_space<vmem>>, vector<16xi32>,
    %get3A_954 = vector.shape_cast %get3A_953 : vector<16xi32> to vector<16xi32>
    %get3A_955 = arith.constant 912 : index
    %get3A_956 = tpu.vector_load %arg7[%get3A_955] {strides = array<i32>} : memref<1024xi32, #tpu.memory_space<vmem>>, vector<16xi32>,
    %get3A_957 = vector.shape_cast %get3A_956 : vector<16xi32> to vector<16xi32>
    %mul3A_958 = arith.constant 2051 : i32
    %mul3A_959 = vector.broadcast %mul3A_958 : i32 to vector<16xi32>
    %mul3A_960 = arith.muli %get3A_957, %mul3A_959 : vector<16xi32>
    %add3A_961 = arith.addi %get3A_954, %mul3A_960 : vector<16xi32>
    %swap3A_962 = arith.constant 57 : i32
    %swap3A_963 = arith.index_cast %swap3A_962 : i32 to index
    %swap3A_964 = arith.constant 0 : index
    %swap3A_965 = tpu.vector_load %arg8[%swap3A_963, %swap3A_964] {strides = array<i32>} : memref<64x16xi32, #tpu.memory_space<vmem>>, vector<1x16xi32>,
    %swap3A_966 = vector.shape_cast %swap3A_965 : vector<1x16xi32> to vector<16xi32>
    %swap3A_967 = vector.shape_cast %add3A_961 : vector<16xi32> to vector<1x16xi32>
    tpu.vector_store %arg8[%swap3A_963, %swap3A_964], %swap3A_967 {strides = array<i32>} : memref<64x16xi32, #tpu.memory_space<vmem>>, vector<1x16xi32>,
    %get3A_968 = arith.constant 928 : index
    %get3A_969 = tpu.vector_load %arg6[%get3A_968] {strides = array<i32>} : memref<1024xi32, #tpu.memory_space<vmem>>, vector<16xi32>,
    %get3A_970 = vector.shape_cast %get3A_969 : vector<16xi32> to vector<16xi32>
    %get3A_971 = arith.constant 928 : index
    %get3A_972 = tpu.vector_load %arg7[%get3A_971] {strides = array<i32>} : memref<1024xi32, #tpu.memory_space<vmem>>, vector<16xi32>,
    %get3A_973 = vector.shape_cast %get3A_972 : vector<16xi32> to vector<16xi32>
    %mul3A_974 = arith.constant 2051 : i32
    %mul3A_975 = vector.broadcast %mul3A_974 : i32 to vector<16xi32>
    %mul3A_976 = arith.muli %get3A_973, %mul3A_975 : vector<16xi32>
    %add3A_977 = arith.addi %get3A_970, %mul3A_976 : vector<16xi32>
    %swap3A_978 = arith.constant 58 : i32
    %swap3A_979 = arith.index_cast %swap3A_978 : i32 to index
    %swap3A_980 = arith.constant 0 : index
    %swap3A_981 = tpu.vector_load %arg8[%swap3A_979, %swap3A_980] {strides = array<i32>} : memref<64x16xi32, #tpu.memory_space<vmem>>, vector<1x16xi32>,
    %swap3A_982 = vector.shape_cast %swap3A_981 : vector<1x16xi32> to vector<16xi32>
    %swap3A_983 = vector.shape_cast %add3A_977 : vector<16xi32> to vector<1x16xi32>
    tpu.vector_store %arg8[%swap3A_979, %swap3A_980], %swap3A_983 {strides = array<i32>} : memref<64x16xi32, #tpu.memory_space<vmem>>, vector<1x16xi32>,
    %get3A_984 = arith.constant 944 : index
    %get3A_985 = tpu.vector_load %arg6[%get3A_984] {strides = array<i32>} : memref<1024xi32, #tpu.memory_space<vmem>>, vector<16xi32>,
    %get3A_986 = vector.shape_cast %get3A_985 : vector<16xi32> to vector<16xi32>
    %get3A_987 = arith.constant 944 : index
    %get3A_988 = tpu.vector_load %arg7[%get3A_987] {strides = array<i32>} : memref<1024xi32, #tpu.memory_space<vmem>>, vector<16xi32>,
    %get3A_989 = vector.shape_cast %get3A_988 : vector<16xi32> to vector<16xi32>
    %mul3A_990 = arith.constant 2051 : i32
    %mul3A_991 = vector.broadcast %mul3A_990 : i32 to vector<16xi32>
    %mul3A_992 = arith.muli %get3A_989, %mul3A_991 : vector<16xi32>
    %add3A_993 = arith.addi %get3A_986, %mul3A_992 : vector<16xi32>
    %swap3A_994 = arith.constant 59 : i32
    %swap3A_995 = arith.index_cast %swap3A_994 : i32 to index
    %swap3A_996 = arith.constant 0 : index
    %swap3A_997 = tpu.vector_load %arg8[%swap3A_995, %swap3A_996] {strides = array<i32>} : memref<64x16xi32, #tpu.memory_space<vmem>>, vector<1x16xi32>,
    %swap3A_998 = vector.shape_cast %swap3A_997 : vector<1x16xi32> to vector<16xi32>
    %swap3A_999 = vector.shape_cast %add3A_993 : vector<16xi32> to vector<1x16xi32>
    tpu.vector_store %arg8[%swap3A_995, %swap3A_996], %swap3A_999 {strides = array<i32>} : memref<64x16xi32, #tpu.memory_space<vmem>>, vector<1x16xi32>,
    %get3A_1000 = arith.constant 960 : index
    %get3A_1001 = tpu.vector_load %arg6[%get3A_1000] {strides = array<i32>} : memref<1024xi32, #tpu.memory_space<vmem>>, vector<16xi32>,
    %get3A_1002 = vector.shape_cast %get3A_1001 : vector<16xi32> to vector<16xi32>
    %get3A_1003 = arith.constant 960 : index
    %get3A_1004 = tpu.vector_load %arg7[%get3A_1003] {strides = array<i32>} : memref<1024xi32, #tpu.memory_space<vmem>>, vector<16xi32>,
    %get3A_1005 = vector.shape_cast %get3A_1004 : vector<16xi32> to vector<16xi32>
    %mul3A_1006 = arith.constant 2051 : i32
    %mul3A_1007 = vector.broadcast %mul3A_1006 : i32 to vector<16xi32>
    %mul3A_1008 = arith.muli %get3A_1005, %mul3A_1007 : vector<16xi32>
    %add3A_1009 = arith.addi %get3A_1002, %mul3A_1008 : vector<16xi32>
    %swap3A_1010 = arith.constant 60 : i32
    %swap3A_1011 = arith.index_cast %swap3A_1010 : i32 to index
    %swap3A_1012 = arith.constant 0 : index
    %swap3A_1013 = tpu.vector_load %arg8[%swap3A_1011, %swap3A_1012] {strides = array<i32>} : memref<64x16xi32, #tpu.memory_space<vmem>>, vector<1x16xi32>,
    %swap3A_1014 = vector.shape_cast %swap3A_1013 : vector<1x16xi32> to vector<16xi32>
    %swap3A_1015 = vector.shape_cast %add3A_1009 : vector<16xi32> to vector<1x16xi32>
    tpu.vector_store %arg8[%swap3A_1011, %swap3A_1012], %swap3A_1015 {strides = array<i32>} : memref<64x16xi32, #tpu.memory_space<vmem>>, vector<1x16xi32>,
    %get3A_1016 = arith.constant 976 : index
    %get3A_1017 = tpu.vector_load %arg6[%get3A_1016] {strides = array<i32>} : memref<1024xi32, #tpu.memory_space<vmem>>, vector<16xi32>,
    %get3A_1018 = vector.shape_cast %get3A_1017 : vector<16xi32> to vector<16xi32>
    %get3A_1019 = arith.constant 976 : index
    %get3A_1020 = tpu.vector_load %arg7[%get3A_1019] {strides = array<i32>} : memref<1024xi32, #tpu.memory_space<vmem>>, vector<16xi32>,
    %get3A_1021 = vector.shape_cast %get3A_1020 : vector<16xi32> to vector<16xi32>
    %mul3A_1022 = arith.constant 2051 : i32
    %mul3A_1023 = vector.broadcast %mul3A_1022 : i32 to vector<16xi32>
    %mul3A_1024 = arith.muli %get3A_1021, %mul3A_1023 : vector<16xi32>
    %add3A_1025 = arith.addi %get3A_1018, %mul3A_1024 : vector<16xi32>
    %swap3A_1026 = arith.constant 61 : i32
    %swap3A_1027 = arith.index_cast %swap3A_1026 : i32 to index
    %swap3A_1028 = arith.constant 0 : index
    %swap3A_1029 = tpu.vector_load %arg8[%swap3A_1027, %swap3A_1028] {strides = array<i32>} : memref<64x16xi32, #tpu.memory_space<vmem>>, vector<1x16xi32>,
    %swap3A_1030 = vector.shape_cast %swap3A_1029 : vector<1x16xi32> to vector<16xi32>
    %swap3A_1031 = vector.shape_cast %add3A_1025 : vector<16xi32> to vector<1x16xi32>
    tpu.vector_store %arg8[%swap3A_1027, %swap3A_1028], %swap3A_1031 {strides = array<i32>} : memref<64x16xi32, #tpu.memory_space<vmem>>, vector<1x16xi32>,
    %get3A_1032 = arith.constant 992 : index
    %get3A_1033 = tpu.vector_load %arg6[%get3A_1032] {strides = array<i32>} : memref<1024xi32, #tpu.memory_space<vmem>>, vector<16xi32>,
    %get3A_1034 = vector.shape_cast %get3A_1033 : vector<16xi32> to vector<16xi32>
    %get3A_1035 = arith.constant 992 : index
    %get3A_1036 = tpu.vector_load %arg7[%get3A_1035] {strides = array<i32>} : memref<1024xi32, #tpu.memory_space<vmem>>, vector<16xi32>,
    %get3A_1037 = vector.shape_cast %get3A_1036 : vector<16xi32> to vector<16xi32>
    %mul3A_1038 = arith.constant 2051 : i32
    %mul3A_1039 = vector.broadcast %mul3A_1038 : i32 to vector<16xi32>
    %mul3A_1040 = arith.muli %get3A_1037, %mul3A_1039 : vector<16xi32>
    %add3A_1041 = arith.addi %get3A_1034, %mul3A_1040 : vector<16xi32>
    %swap3A_1042 = arith.constant 62 : i32
    %swap3A_1043 = arith.index_cast %swap3A_1042 : i32 to index
    %swap3A_1044 = arith.constant 0 : index
    %swap3A_1045 = tpu.vector_load %arg8[%swap3A_1043, %swap3A_1044] {strides = array<i32>} : memref<64x16xi32, #tpu.memory_space<vmem>>, vector<1x16xi32>,
    %swap3A_1046 = vector.shape_cast %swap3A_1045 : vector<1x16xi32> to vector<16xi32>
    %swap3A_1047 = vector.shape_cast %add3A_1041 : vector<16xi32> to vector<1x16xi32>
    tpu.vector_store %arg8[%swap3A_1043, %swap3A_1044], %swap3A_1047 {strides = array<i32>} : memref<64x16xi32, #tpu.memory_space<vmem>>, vector<1x16xi32>,
    %get3A_1048 = arith.constant 1008 : index
    %get3A_1049 = tpu.vector_load %arg6[%get3A_1048] {strides = array<i32>} : memref<1024xi32, #tpu.memory_space<vmem>>, vector<16xi32>,
    %get3A_1050 = vector.shape_cast %get3A_1049 : vector<16xi32> to vector<16xi32>
    %get3A_1051 = arith.constant 1008 : index
    %get3A_1052 = tpu.vector_load %arg7[%get3A_1051] {strides = array<i32>} : memref<1024xi32, #tpu.memory_space<vmem>>, vector<16xi32>,
    %get3A_1053 = vector.shape_cast %get3A_1052 : vector<16xi32> to vector<16xi32>
    %mul3A_1054 = arith.constant 2051 : i32
    %mul3A_1055 = vector.broadcast %mul3A_1054 : i32 to vector<16xi32>
    %mul3A_1056 = arith.muli %get3A_1053, %mul3A_1055 : vector<16xi32>
    %add3A_1057 = arith.addi %get3A_1050, %mul3A_1056 : vector<16xi32>
    %swap3A_1058 = arith.constant 63 : i32
    %swap3A_1059 = arith.index_cast %swap3A_1058 : i32 to index
    %swap3A_1060 = arith.constant 0 : index
    %swap3A_1061 = tpu.vector_load %arg8[%swap3A_1059, %swap3A_1060] {strides = array<i32>} : memref<64x16xi32, #tpu.memory_space<vmem>>, vector<1x16xi32>,
    %swap3A_1062 = vector.shape_cast %swap3A_1061 : vector<1x16xi32> to vector<16xi32>
    %swap3A_1063 = vector.shape_cast %add3A_1057 : vector<16xi32> to vector<1x16xi32>
    tpu.vector_store %arg8[%swap3A_1059, %swap3A_1060], %swap3A_1063 {strides = array<i32>} : memref<64x16xi32, #tpu.memory_space<vmem>>, vector<1x16xi32>,
    %scan3A = arith.constant 0 : i32
    %scan3A_1064 = arith.constant 21 : i32
    %scan3A_1065 = arith.addi %scan3A, %scan3A_1064 : i32
    %scan3A_1066 = arith.constant 1 : i32
    scf.for %scan3A_1107 = %scan3A to %scan3A_1065 step %scan3A_1066  : i32 {
      %mul3A_1108 = arith.constant 3 : i32
      %mul3A_1109 = arith.muli %scan3A_1107, %mul3A_1108 : i32
      %add3A_1110 = arith.constant 0 : i32
      %add3A_1111 = arith.addi %add3A_1110, %mul3A_1109 : i32
      %add3A_1112 = arith.constant 0 : i32
      %add3A_1113 = arith.addi %add3A_1111, %add3A_1112 : i32
      %dma_wait3A_1114 = arith.constant 0 : i32
      %dma_wait3A_1115 = arith.constant 0 : i32
      %dma_wait3A_1116 = arith.constant 0 : i32
      %dma_wait3A_1117 = arith.constant 0 : i32
      %dma_wait3A_1118 = tpu.memref_slice %arg9[%dma_wait3A_1115, %dma_wait3A_1116, %dma_wait3A_1117] : memref<3x16x2048xf32, #tpu.memory_space<vmem>> -> memref<1x16x2048xf32, #tpu.memory_space<vmem>>
      %dma_wait3A_1119 = tpu.memref_squeeze %dma_wait3A_1118 : memref<1x16x2048xf32, #tpu.memory_space<vmem>> -> memref<16x2048xf32, #tpu.memory_space<vmem>>
      %dma_wait3A_1120 = arith.constant 0 : i32
      %dma_wait3A_1121 = tpu.memref_slice %arg8[%dma_wait3A_1114, %dma_wait3A_1120] : memref<64x16xi32, #tpu.memory_space<vmem>> -> memref<1x16xi32, #tpu.memory_space<vmem>>
      %dma_wait3A_1122 = tpu.memref_squeeze %dma_wait3A_1121 : memref<1x16xi32, #tpu.memory_space<vmem>> -> memref<16xi32, #tpu.memory_space<vmem>>
      %dma_wait3A_1123 = arith.constant 0 : i32
      %dma_wait3A_1124 = arith.constant 0 : i32
      %dma_wait3A_1125 = tpu.memref_slice %arg4[%dma_wait3A_1123, %dma_wait3A_1124] : memref<65632x2048xf32, #tpu.memory_space<hbm>> -> memref<65632x2048xf32, #tpu.memory_space<hbm>>
      tpu.wait_indirect_dma semaphore(%arg10 : memref<!tpu.dma_semaphore, #tpu.memory_space<semaphore_mem>>) src(%dma_wait3A_1125 : memref<65632x2048xf32, #tpu.memory_space<hbm>>) dst(%dma_wait3A_1119 : memref<16x2048xf32, #tpu.memory_space<vmem>>)
      %mul3A_1126 = arith.constant 16 : i32
      %mul3A_1127 = arith.muli %add3A_1113, %mul3A_1126 : i32
      %add3A_1128 = arith.addi %mul3A_2, %mul3A_1127 : i32
      %dma_start3A_1129 = arith.constant 0 : i32
      %dma_start3A_1130 = arith.constant 0 : i32
      %dma_start3A_1131 = arith.constant 0 : i32
      %dma_start3A_1132 = tpu.memref_slice %arg9[%dma_start3A_1129, %dma_start3A_1130, %dma_start3A_1131] : memref<3x16x2048xf32, #tpu.memory_space<vmem>> -> memref<1x16x2048xf32, #tpu.memory_space<vmem>>
      %dma_start3A_1133 = tpu.memref_squeeze %dma_start3A_1132 : memref<1x16x2048xf32, #tpu.memory_space<vmem>> -> memref<16x2048xf32, #tpu.memory_space<vmem>>
      %dma_start3A_1134 = arith.constant 0 : i32
      %dma_start3A_1135 = tpu.memref_slice %arg5[%add3A_1128, %dma_start3A_1134] : memref<32768x2048xf32, #tpu.memory_space<hbm>> -> memref<16x2048xf32, #tpu.memory_space<hbm>>
      %dma_start3A_1136 = arith.constant 0 : i32
      %dma_start3A_1137 = tpu.memref_slice %arg5[%add3A_1128, %dma_start3A_1136] : memref<32768x2048xf32, #tpu.memory_space<hbm>> -> memref<16x2048xf32, #tpu.memory_space<hbm>>
      %dma_start3A_1138 = arith.constant 0 : i32
      %dma_start3A_1139 = arith.constant 0 : i32
      %dma_start3A_1140 = tpu.memref_slice %arg9[%dma_start3A_1129, %dma_start3A_1138, %dma_start3A_1139] : memref<3x16x2048xf32, #tpu.memory_space<vmem>> -> memref<1x16x2048xf32, #tpu.memory_space<vmem>>
      %dma_start3A_1141 = tpu.memref_squeeze %dma_start3A_1140 : memref<1x16x2048xf32, #tpu.memory_space<vmem>> -> memref<16x2048xf32, #tpu.memory_space<vmem>>
      tpu.enqueue_dma source(%dma_start3A_1141 : memref<16x2048xf32, #tpu.memory_space<vmem>>) target(%dma_start3A_1137 : memref<16x2048xf32, #tpu.memory_space<hbm>>) target_semaphore(%arg13 : memref<!tpu.dma_semaphore, #tpu.memory_space<semaphore_mem>>)
      %dma_wait3A_1142 = arith.constant 0 : i32
      %dma_wait3A_1143 = arith.constant 0 : i32
      %dma_wait3A_1144 = arith.constant 0 : i32
      %dma_wait3A_1145 = tpu.memref_slice %arg9[%dma_wait3A_1142, %dma_wait3A_1143, %dma_wait3A_1144] : memref<3x16x2048xf32, #tpu.memory_space<vmem>> -> memref<1x16x2048xf32, #tpu.memory_space<vmem>>
      %dma_wait3A_1146 = tpu.memref_squeeze %dma_wait3A_1145 : memref<1x16x2048xf32, #tpu.memory_space<vmem>> -> memref<16x2048xf32, #tpu.memory_space<vmem>>
      %dma_wait3A_1147 = arith.constant 0 : i32
      %dma_wait3A_1148 = tpu.memref_slice %arg5[%add3A_1128, %dma_wait3A_1147] : memref<32768x2048xf32, #tpu.memory_space<hbm>> -> memref<16x2048xf32, #tpu.memory_space<hbm>>
      %dma_wait3A_1149 = arith.constant 0 : i32
      %dma_wait3A_1150 = tpu.memref_slice %arg5[%add3A_1128, %dma_wait3A_1149] : memref<32768x2048xf32, #tpu.memory_space<hbm>> -> memref<16x2048xf32, #tpu.memory_space<hbm>>
      %dma_wait3A_1151 = arith.constant 0 : i32
      %dma_wait3A_1152 = arith.constant 0 : i32
      %dma_wait3A_1153 = tpu.memref_slice %arg9[%dma_wait3A_1142, %dma_wait3A_1151, %dma_wait3A_1152] : memref<3x16x2048xf32, #tpu.memory_space<vmem>> -> memref<1x16x2048xf32, #tpu.memory_space<vmem>>
      %dma_wait3A_1154 = tpu.memref_squeeze %dma_wait3A_1153 : memref<1x16x2048xf32, #tpu.memory_space<vmem>> -> memref<16x2048xf32, #tpu.memory_space<vmem>>
      tpu.wait_dma2 semaphore(%arg13 : memref<!tpu.dma_semaphore, #tpu.memory_space<semaphore_mem>>) src(%dma_wait3A_1154 : memref<16x2048xf32, #tpu.memory_space<vmem>>) dst(%dma_wait3A_1150 : memref<16x2048xf32, #tpu.memory_space<hbm>>)
      %add3A_1155 = arith.constant 3 : i32
      %add3A_1156 = arith.addi %add3A_1113, %add3A_1155 : i32
      %lt3A = arith.constant 64 : i32
      %lt3A_1157 = arith.cmpi slt, %add3A_1156, %lt3A : i32
      %convert_element_type3A = arith.extui %lt3A_1157 : i1 to i32
      %cond3A = arith.constant 0 : i32
      %cond3A_1158 = arith.cmpi ne, %convert_element_type3A, %cond3A : i32
      scf.if %cond3A_1158 {
        %dma_start3A_1259 = arith.constant 0 : i32
        %dma_start3A_1260 = arith.constant 0 : i32
        %dma_start3A_1261 = arith.constant 0 : i32
        %dma_start3A_1262 = tpu.memref_slice %arg9[%dma_start3A_1259, %dma_start3A_1260, %dma_start3A_1261] : memref<3x16x2048xf32, #tpu.memory_space<vmem>> -> memref<1x16x2048xf32, #tpu.memory_space<vmem>>
        %dma_start3A_1263 = tpu.memref_squeeze %dma_start3A_1262 : memref<1x16x2048xf32, #tpu.memory_space<vmem>> -> memref<16x2048xf32, #tpu.memory_space<vmem>>
        %dma_start3A_1264 = arith.constant 0 : i32
        %dma_start3A_1265 = tpu.memref_slice %arg8[%add3A_1156, %dma_start3A_1264] : memref<64x16xi32, #tpu.memory_space<vmem>> -> memref<1x16xi32, #tpu.memory_space<vmem>>
        %dma_start3A_1266 = tpu.memref_squeeze %dma_start3A_1265 : memref<1x16xi32, #tpu.memory_space<vmem>> -> memref<16xi32, #tpu.memory_space<vmem>>
        %dma_start3A_1267 = arith.constant 0 : i32
        %dma_start3A_1268 = arith.constant 0 : i32
        %dma_start3A_1269 = tpu.memref_slice %arg4[%dma_start3A_1267, %dma_start3A_1268] : memref<65632x2048xf32, #tpu.memory_space<hbm>> -> memref<65632x2048xf32, #tpu.memory_space<hbm>>
        tpu.enqueue_indirect_dma source(%dma_start3A_1269 : memref<65632x2048xf32, #tpu.memory_space<hbm>>) target(%dma_start3A_1263 : memref<16x2048xf32, #tpu.memory_space<vmem>>) offsets(%dma_start3A_1266 : memref<16xi32, #tpu.memory_space<vmem>>) semaphore(%arg10 : memref<!tpu.dma_semaphore, #tpu.memory_space<semaphore_mem>>)
      } else {
      }
      %add3A_1159 = arith.constant 1 : i32
      %add3A_1160 = arith.addi %add3A_1111, %add3A_1159 : i32
      %dma_wait3A_1161 = arith.constant 1 : i32
      %dma_wait3A_1162 = arith.constant 1 : i32
      %dma_wait3A_1163 = arith.constant 0 : i32
      %dma_wait3A_1164 = arith.constant 0 : i32
      %dma_wait3A_1165 = tpu.memref_slice %arg9[%dma_wait3A_1162, %dma_wait3A_1163, %dma_wait3A_1164] : memref<3x16x2048xf32, #tpu.memory_space<vmem>> -> memref<1x16x2048xf32, #tpu.memory_space<vmem>>
      %dma_wait3A_1166 = tpu.memref_squeeze %dma_wait3A_1165 : memref<1x16x2048xf32, #tpu.memory_space<vmem>> -> memref<16x2048xf32, #tpu.memory_space<vmem>>
      %dma_wait3A_1167 = arith.constant 0 : i32
      %dma_wait3A_1168 = tpu.memref_slice %arg8[%dma_wait3A_1161, %dma_wait3A_1167] : memref<64x16xi32, #tpu.memory_space<vmem>> -> memref<1x16xi32, #tpu.memory_space<vmem>>
      %dma_wait3A_1169 = tpu.memref_squeeze %dma_wait3A_1168 : memref<1x16xi32, #tpu.memory_space<vmem>> -> memref<16xi32, #tpu.memory_space<vmem>>
      %dma_wait3A_1170 = arith.constant 0 : i32
      %dma_wait3A_1171 = arith.constant 0 : i32
      %dma_wait3A_1172 = tpu.memref_slice %arg4[%dma_wait3A_1170, %dma_wait3A_1171] : memref<65632x2048xf32, #tpu.memory_space<hbm>> -> memref<65632x2048xf32, #tpu.memory_space<hbm>>
      tpu.wait_indirect_dma semaphore(%arg11 : memref<!tpu.dma_semaphore, #tpu.memory_space<semaphore_mem>>) src(%dma_wait3A_1172 : memref<65632x2048xf32, #tpu.memory_space<hbm>>) dst(%dma_wait3A_1166 : memref<16x2048xf32, #tpu.memory_space<vmem>>)
      %mul3A_1173 = arith.constant 16 : i32
      %mul3A_1174 = arith.muli %add3A_1160, %mul3A_1173 : i32
      %add3A_1175 = arith.addi %mul3A_2, %mul3A_1174 : i32
      %dma_start3A_1176 = arith.constant 1 : i32
      %dma_start3A_1177 = arith.constant 0 : i32
      %dma_start3A_1178 = arith.constant 0 : i32
      %dma_start3A_1179 = tpu.memref_slice %arg9[%dma_start3A_1176, %dma_start3A_1177, %dma_start3A_1178] : memref<3x16x2048xf32, #tpu.memory_space<vmem>> -> memref<1x16x2048xf32, #tpu.memory_space<vmem>>
      %dma_start3A_1180 = tpu.memref_squeeze %dma_start3A_1179 : memref<1x16x2048xf32, #tpu.memory_space<vmem>> -> memref<16x2048xf32, #tpu.memory_space<vmem>>
      %dma_start3A_1181 = arith.constant 0 : i32
      %dma_start3A_1182 = tpu.memref_slice %arg5[%add3A_1175, %dma_start3A_1181] : memref<32768x2048xf32, #tpu.memory_space<hbm>> -> memref<16x2048xf32, #tpu.memory_space<hbm>>
      %dma_start3A_1183 = arith.constant 0 : i32
      %dma_start3A_1184 = tpu.memref_slice %arg5[%add3A_1175, %dma_start3A_1183] : memref<32768x2048xf32, #tpu.memory_space<hbm>> -> memref<16x2048xf32, #tpu.memory_space<hbm>>
      %dma_start3A_1185 = arith.constant 0 : i32
      %dma_start3A_1186 = arith.constant 0 : i32
      %dma_start3A_1187 = tpu.memref_slice %arg9[%dma_start3A_1176, %dma_start3A_1185, %dma_start3A_1186] : memref<3x16x2048xf32, #tpu.memory_space<vmem>> -> memref<1x16x2048xf32, #tpu.memory_space<vmem>>
      %dma_start3A_1188 = tpu.memref_squeeze %dma_start3A_1187 : memref<1x16x2048xf32, #tpu.memory_space<vmem>> -> memref<16x2048xf32, #tpu.memory_space<vmem>>
      tpu.enqueue_dma source(%dma_start3A_1188 : memref<16x2048xf32, #tpu.memory_space<vmem>>) target(%dma_start3A_1184 : memref<16x2048xf32, #tpu.memory_space<hbm>>) target_semaphore(%arg14 : memref<!tpu.dma_semaphore, #tpu.memory_space<semaphore_mem>>)
      %dma_wait3A_1189 = arith.constant 1 : i32
      %dma_wait3A_1190 = arith.constant 0 : i32
      %dma_wait3A_1191 = arith.constant 0 : i32
      %dma_wait3A_1192 = tpu.memref_slice %arg9[%dma_wait3A_1189, %dma_wait3A_1190, %dma_wait3A_1191] : memref<3x16x2048xf32, #tpu.memory_space<vmem>> -> memref<1x16x2048xf32, #tpu.memory_space<vmem>>
      %dma_wait3A_1193 = tpu.memref_squeeze %dma_wait3A_1192 : memref<1x16x2048xf32, #tpu.memory_space<vmem>> -> memref<16x2048xf32, #tpu.memory_space<vmem>>
      %dma_wait3A_1194 = arith.constant 0 : i32
      %dma_wait3A_1195 = tpu.memref_slice %arg5[%add3A_1175, %dma_wait3A_1194] : memref<32768x2048xf32, #tpu.memory_space<hbm>> -> memref<16x2048xf32, #tpu.memory_space<hbm>>
      %dma_wait3A_1196 = arith.constant 0 : i32
      %dma_wait3A_1197 = tpu.memref_slice %arg5[%add3A_1175, %dma_wait3A_1196] : memref<32768x2048xf32, #tpu.memory_space<hbm>> -> memref<16x2048xf32, #tpu.memory_space<hbm>>
      %dma_wait3A_1198 = arith.constant 0 : i32
      %dma_wait3A_1199 = arith.constant 0 : i32
      %dma_wait3A_1200 = tpu.memref_slice %arg9[%dma_wait3A_1189, %dma_wait3A_1198, %dma_wait3A_1199] : memref<3x16x2048xf32, #tpu.memory_space<vmem>> -> memref<1x16x2048xf32, #tpu.memory_space<vmem>>
      %dma_wait3A_1201 = tpu.memref_squeeze %dma_wait3A_1200 : memref<1x16x2048xf32, #tpu.memory_space<vmem>> -> memref<16x2048xf32, #tpu.memory_space<vmem>>
      tpu.wait_dma2 semaphore(%arg14 : memref<!tpu.dma_semaphore, #tpu.memory_space<semaphore_mem>>) src(%dma_wait3A_1201 : memref<16x2048xf32, #tpu.memory_space<vmem>>) dst(%dma_wait3A_1197 : memref<16x2048xf32, #tpu.memory_space<hbm>>)
      %add3A_1202 = arith.constant 3 : i32
      %add3A_1203 = arith.addi %add3A_1160, %add3A_1202 : i32
      %lt3A_1204 = arith.constant 64 : i32
      %lt3A_1205 = arith.cmpi slt, %add3A_1203, %lt3A_1204 : i32
      %convert_element_type3A_1206 = arith.extui %lt3A_1205 : i1 to i32
      %cond3A_1207 = arith.constant 0 : i32
      %cond3A_1208 = arith.cmpi ne, %convert_element_type3A_1206, %cond3A_1207 : i32
      scf.if %cond3A_1208 {
        %dma_start3A_1259 = arith.constant 1 : i32
        %dma_start3A_1260 = arith.constant 0 : i32
        %dma_start3A_1261 = arith.constant 0 : i32
        %dma_start3A_1262 = tpu.memref_slice %arg9[%dma_start3A_1259, %dma_start3A_1260, %dma_start3A_1261] : memref<3x16x2048xf32, #tpu.memory_space<vmem>> -> memref<1x16x2048xf32, #tpu.memory_space<vmem>>
        %dma_start3A_1263 = tpu.memref_squeeze %dma_start3A_1262 : memref<1x16x2048xf32, #tpu.memory_space<vmem>> -> memref<16x2048xf32, #tpu.memory_space<vmem>>
        %dma_start3A_1264 = arith.constant 0 : i32
        %dma_start3A_1265 = tpu.memref_slice %arg8[%add3A_1203, %dma_start3A_1264] : memref<64x16xi32, #tpu.memory_space<vmem>> -> memref<1x16xi32, #tpu.memory_space<vmem>>
        %dma_start3A_1266 = tpu.memref_squeeze %dma_start3A_1265 : memref<1x16xi32, #tpu.memory_space<vmem>> -> memref<16xi32, #tpu.memory_space<vmem>>
        %dma_start3A_1267 = arith.constant 0 : i32
        %dma_start3A_1268 = arith.constant 0 : i32
        %dma_start3A_1269 = tpu.memref_slice %arg4[%dma_start3A_1267, %dma_start3A_1268] : memref<65632x2048xf32, #tpu.memory_space<hbm>> -> memref<65632x2048xf32, #tpu.memory_space<hbm>>
        tpu.enqueue_indirect_dma source(%dma_start3A_1269 : memref<65632x2048xf32, #tpu.memory_space<hbm>>) target(%dma_start3A_1263 : memref<16x2048xf32, #tpu.memory_space<vmem>>) offsets(%dma_start3A_1266 : memref<16xi32, #tpu.memory_space<vmem>>) semaphore(%arg11 : memref<!tpu.dma_semaphore, #tpu.memory_space<semaphore_mem>>)
      } else {
      }
      %add3A_1209 = arith.constant 2 : i32
      %add3A_1210 = arith.addi %add3A_1111, %add3A_1209 : i32
      %dma_wait3A_1211 = arith.constant 2 : i32
      %dma_wait3A_1212 = arith.constant 2 : i32
      %dma_wait3A_1213 = arith.constant 0 : i32
      %dma_wait3A_1214 = arith.constant 0 : i32
      %dma_wait3A_1215 = tpu.memref_slice %arg9[%dma_wait3A_1212, %dma_wait3A_1213, %dma_wait3A_1214] : memref<3x16x2048xf32, #tpu.memory_space<vmem>> -> memref<1x16x2048xf32, #tpu.memory_space<vmem>>
      %dma_wait3A_1216 = tpu.memref_squeeze %dma_wait3A_1215 : memref<1x16x2048xf32, #tpu.memory_space<vmem>> -> memref<16x2048xf32, #tpu.memory_space<vmem>>
      %dma_wait3A_1217 = arith.constant 0 : i32
      %dma_wait3A_1218 = tpu.memref_slice %arg8[%dma_wait3A_1211, %dma_wait3A_1217] : memref<64x16xi32, #tpu.memory_space<vmem>> -> memref<1x16xi32, #tpu.memory_space<vmem>>
      %dma_wait3A_1219 = tpu.memref_squeeze %dma_wait3A_1218 : memref<1x16xi32, #tpu.memory_space<vmem>> -> memref<16xi32, #tpu.memory_space<vmem>>
      %dma_wait3A_1220 = arith.constant 0 : i32
      %dma_wait3A_1221 = arith.constant 0 : i32
      %dma_wait3A_1222 = tpu.memref_slice %arg4[%dma_wait3A_1220, %dma_wait3A_1221] : memref<65632x2048xf32, #tpu.memory_space<hbm>> -> memref<65632x2048xf32, #tpu.memory_space<hbm>>
      tpu.wait_indirect_dma semaphore(%arg12 : memref<!tpu.dma_semaphore, #tpu.memory_space<semaphore_mem>>) src(%dma_wait3A_1222 : memref<65632x2048xf32, #tpu.memory_space<hbm>>) dst(%dma_wait3A_1216 : memref<16x2048xf32, #tpu.memory_space<vmem>>)
      %mul3A_1223 = arith.constant 16 : i32
      %mul3A_1224 = arith.muli %add3A_1210, %mul3A_1223 : i32
      %add3A_1225 = arith.addi %mul3A_2, %mul3A_1224 : i32
      %dma_start3A_1226 = arith.constant 2 : i32
      %dma_start3A_1227 = arith.constant 0 : i32
      %dma_start3A_1228 = arith.constant 0 : i32
      %dma_start3A_1229 = tpu.memref_slice %arg9[%dma_start3A_1226, %dma_start3A_1227, %dma_start3A_1228] : memref<3x16x2048xf32, #tpu.memory_space<vmem>> -> memref<1x16x2048xf32, #tpu.memory_space<vmem>>
      %dma_start3A_1230 = tpu.memref_squeeze %dma_start3A_1229 : memref<1x16x2048xf32, #tpu.memory_space<vmem>> -> memref<16x2048xf32, #tpu.memory_space<vmem>>
      %dma_start3A_1231 = arith.constant 0 : i32
      %dma_start3A_1232 = tpu.memref_slice %arg5[%add3A_1225, %dma_start3A_1231] : memref<32768x2048xf32, #tpu.memory_space<hbm>> -> memref<16x2048xf32, #tpu.memory_space<hbm>>
      %dma_start3A_1233 = arith.constant 0 : i32
      %dma_start3A_1234 = tpu.memref_slice %arg5[%add3A_1225, %dma_start3A_1233] : memref<32768x2048xf32, #tpu.memory_space<hbm>> -> memref<16x2048xf32, #tpu.memory_space<hbm>>
      %dma_start3A_1235 = arith.constant 0 : i32
      %dma_start3A_1236 = arith.constant 0 : i32
      %dma_start3A_1237 = tpu.memref_slice %arg9[%dma_start3A_1226, %dma_start3A_1235, %dma_start3A_1236] : memref<3x16x2048xf32, #tpu.memory_space<vmem>> -> memref<1x16x2048xf32, #tpu.memory_space<vmem>>
      %dma_start3A_1238 = tpu.memref_squeeze %dma_start3A_1237 : memref<1x16x2048xf32, #tpu.memory_space<vmem>> -> memref<16x2048xf32, #tpu.memory_space<vmem>>
      tpu.enqueue_dma source(%dma_start3A_1238 : memref<16x2048xf32, #tpu.memory_space<vmem>>) target(%dma_start3A_1234 : memref<16x2048xf32, #tpu.memory_space<hbm>>) target_semaphore(%arg15 : memref<!tpu.dma_semaphore, #tpu.memory_space<semaphore_mem>>)
      %dma_wait3A_1239 = arith.constant 2 : i32
      %dma_wait3A_1240 = arith.constant 0 : i32
      %dma_wait3A_1241 = arith.constant 0 : i32
      %dma_wait3A_1242 = tpu.memref_slice %arg9[%dma_wait3A_1239, %dma_wait3A_1240, %dma_wait3A_1241] : memref<3x16x2048xf32, #tpu.memory_space<vmem>> -> memref<1x16x2048xf32, #tpu.memory_space<vmem>>
      %dma_wait3A_1243 = tpu.memref_squeeze %dma_wait3A_1242 : memref<1x16x2048xf32, #tpu.memory_space<vmem>> -> memref<16x2048xf32, #tpu.memory_space<vmem>>
      %dma_wait3A_1244 = arith.constant 0 : i32
      %dma_wait3A_1245 = tpu.memref_slice %arg5[%add3A_1225, %dma_wait3A_1244] : memref<32768x2048xf32, #tpu.memory_space<hbm>> -> memref<16x2048xf32, #tpu.memory_space<hbm>>
      %dma_wait3A_1246 = arith.constant 0 : i32
      %dma_wait3A_1247 = tpu.memref_slice %arg5[%add3A_1225, %dma_wait3A_1246] : memref<32768x2048xf32, #tpu.memory_space<hbm>> -> memref<16x2048xf32, #tpu.memory_space<hbm>>
      %dma_wait3A_1248 = arith.constant 0 : i32
      %dma_wait3A_1249 = arith.constant 0 : i32
      %dma_wait3A_1250 = tpu.memref_slice %arg9[%dma_wait3A_1239, %dma_wait3A_1248, %dma_wait3A_1249] : memref<3x16x2048xf32, #tpu.memory_space<vmem>> -> memref<1x16x2048xf32, #tpu.memory_space<vmem>>
      %dma_wait3A_1251 = tpu.memref_squeeze %dma_wait3A_1250 : memref<1x16x2048xf32, #tpu.memory_space<vmem>> -> memref<16x2048xf32, #tpu.memory_space<vmem>>
      tpu.wait_dma2 semaphore(%arg15 : memref<!tpu.dma_semaphore, #tpu.memory_space<semaphore_mem>>) src(%dma_wait3A_1251 : memref<16x2048xf32, #tpu.memory_space<vmem>>) dst(%dma_wait3A_1247 : memref<16x2048xf32, #tpu.memory_space<hbm>>)
      %add3A_1252 = arith.constant 3 : i32
      %add3A_1253 = arith.addi %add3A_1210, %add3A_1252 : i32
      %lt3A_1254 = arith.constant 64 : i32
      %lt3A_1255 = arith.cmpi slt, %add3A_1253, %lt3A_1254 : i32
      %convert_element_type3A_1256 = arith.extui %lt3A_1255 : i1 to i32
      %cond3A_1257 = arith.constant 0 : i32
      %cond3A_1258 = arith.cmpi ne, %convert_element_type3A_1256, %cond3A_1257 : i32
      scf.if %cond3A_1258 {
        %dma_start3A_1259 = arith.constant 2 : i32
        %dma_start3A_1260 = arith.constant 0 : i32
        %dma_start3A_1261 = arith.constant 0 : i32
        %dma_start3A_1262 = tpu.memref_slice %arg9[%dma_start3A_1259, %dma_start3A_1260, %dma_start3A_1261] : memref<3x16x2048xf32, #tpu.memory_space<vmem>> -> memref<1x16x2048xf32, #tpu.memory_space<vmem>>
        %dma_start3A_1263 = tpu.memref_squeeze %dma_start3A_1262 : memref<1x16x2048xf32, #tpu.memory_space<vmem>> -> memref<16x2048xf32, #tpu.memory_space<vmem>>
        %dma_start3A_1264 = arith.constant 0 : i32
        %dma_start3A_1265 = tpu.memref_slice %arg8[%add3A_1253, %dma_start3A_1264] : memref<64x16xi32, #tpu.memory_space<vmem>> -> memref<1x16xi32, #tpu.memory_space<vmem>>
        %dma_start3A_1266 = tpu.memref_squeeze %dma_start3A_1265 : memref<1x16xi32, #tpu.memory_space<vmem>> -> memref<16xi32, #tpu.memory_space<vmem>>
        %dma_start3A_1267 = arith.constant 0 : i32
        %dma_start3A_1268 = arith.constant 0 : i32
        %dma_start3A_1269 = tpu.memref_slice %arg4[%dma_start3A_1267, %dma_start3A_1268] : memref<65632x2048xf32, #tpu.memory_space<hbm>> -> memref<65632x2048xf32, #tpu.memory_space<hbm>>
        tpu.enqueue_indirect_dma source(%dma_start3A_1269 : memref<65632x2048xf32, #tpu.memory_space<hbm>>) target(%dma_start3A_1263 : memref<16x2048xf32, #tpu.memory_space<vmem>>) offsets(%dma_start3A_1266 : memref<16xi32, #tpu.memory_space<vmem>>) semaphore(%arg12 : memref<!tpu.dma_semaphore, #tpu.memory_space<semaphore_mem>>)
      } else {
      }
    }
    %scan3A_1067 = arith.constant 21 : i32
    %dma_wait3A = arith.constant 0 : i32
    %dma_wait3A_1068 = arith.constant 0 : i32
    %dma_wait3A_1069 = arith.constant 0 : i32
    %dma_wait3A_1070 = arith.constant 0 : i32
    %dma_wait3A_1071 = tpu.memref_slice %arg9[%dma_wait3A_1068, %dma_wait3A_1069, %dma_wait3A_1070] : memref<3x16x2048xf32, #tpu.memory_space<vmem>> -> memref<1x16x2048xf32, #tpu.memory_space<vmem>>
    %dma_wait3A_1072 = tpu.memref_squeeze %dma_wait3A_1071 : memref<1x16x2048xf32, #tpu.memory_space<vmem>> -> memref<16x2048xf32, #tpu.memory_space<vmem>>
    %dma_wait3A_1073 = arith.constant 0 : i32
    %dma_wait3A_1074 = tpu.memref_slice %arg8[%dma_wait3A, %dma_wait3A_1073] : memref<64x16xi32, #tpu.memory_space<vmem>> -> memref<1x16xi32, #tpu.memory_space<vmem>>
    %dma_wait3A_1075 = tpu.memref_squeeze %dma_wait3A_1074 : memref<1x16xi32, #tpu.memory_space<vmem>> -> memref<16xi32, #tpu.memory_space<vmem>>
    %dma_wait3A_1076 = arith.constant 0 : i32
    %dma_wait3A_1077 = arith.constant 0 : i32
    %dma_wait3A_1078 = tpu.memref_slice %arg4[%dma_wait3A_1076, %dma_wait3A_1077] : memref<65632x2048xf32, #tpu.memory_space<hbm>> -> memref<65632x2048xf32, #tpu.memory_space<hbm>>
    tpu.wait_indirect_dma semaphore(%arg10 : memref<!tpu.dma_semaphore, #tpu.memory_space<semaphore_mem>>) src(%dma_wait3A_1078 : memref<65632x2048xf32, #tpu.memory_space<hbm>>) dst(%dma_wait3A_1072 : memref<16x2048xf32, #tpu.memory_space<vmem>>)
    %add3A_1079 = arith.constant 1008 : i32
    %add3A_1080 = arith.addi %mul3A_2, %add3A_1079 : i32
    %dma_start3A_1081 = arith.constant 0 : i32
    %dma_start3A_1082 = arith.constant 0 : i32
    %dma_start3A_1083 = arith.constant 0 : i32
    %dma_start3A_1084 = tpu.memref_slice %arg9[%dma_start3A_1081, %dma_start3A_1082, %dma_start3A_1083] : memref<3x16x2048xf32, #tpu.memory_space<vmem>> -> memref<1x16x2048xf32, #tpu.memory_space<vmem>>
    %dma_start3A_1085 = tpu.memref_squeeze %dma_start3A_1084 : memref<1x16x2048xf32, #tpu.memory_space<vmem>> -> memref<16x2048xf32, #tpu.memory_space<vmem>>
    %dma_start3A_1086 = arith.constant 0 : i32
    %dma_start3A_1087 = tpu.memref_slice %arg5[%add3A_1080, %dma_start3A_1086] : memref<32768x2048xf32, #tpu.memory_space<hbm>> -> memref<16x2048xf32, #tpu.memory_space<hbm>>
    %dma_start3A_1088 = arith.constant 0 : i32
    %dma_start3A_1089 = tpu.memref_slice %arg5[%add3A_1080, %dma_start3A_1088] : memref<32768x2048xf32, #tpu.memory_space<hbm>> -> memref<16x2048xf32, #tpu.memory_space<hbm>>
    %dma_start3A_1090 = arith.constant 0 : i32
    %dma_start3A_1091 = arith.constant 0 : i32
    %dma_start3A_1092 = tpu.memref_slice %arg9[%dma_start3A_1081, %dma_start3A_1090, %dma_start3A_1091] : memref<3x16x2048xf32, #tpu.memory_space<vmem>> -> memref<1x16x2048xf32, #tpu.memory_space<vmem>>
    %dma_start3A_1093 = tpu.memref_squeeze %dma_start3A_1092 : memref<1x16x2048xf32, #tpu.memory_space<vmem>> -> memref<16x2048xf32, #tpu.memory_space<vmem>>
    tpu.enqueue_dma source(%dma_start3A_1093 : memref<16x2048xf32, #tpu.memory_space<vmem>>) target(%dma_start3A_1089 : memref<16x2048xf32, #tpu.memory_space<hbm>>) target_semaphore(%arg13 : memref<!tpu.dma_semaphore, #tpu.memory_space<semaphore_mem>>)
    %dma_wait3A_1094 = arith.constant 0 : i32
    %dma_wait3A_1095 = arith.constant 0 : i32
    %dma_wait3A_1096 = arith.constant 0 : i32
    %dma_wait3A_1097 = tpu.memref_slice %arg9[%dma_wait3A_1094, %dma_wait3A_1095, %dma_wait3A_1096] : memref<3x16x2048xf32, #tpu.memory_space<vmem>> -> memref<1x16x2048xf32, #tpu.memory_space<vmem>>
    %dma_wait3A_1098 = tpu.memref_squeeze %dma_wait3A_1097 : memref<1x16x2048xf32, #tpu.memory_space<vmem>> -> memref<16x2048xf32, #tpu.memory_space<vmem>>
    %dma_wait3A_1099 = arith.constant 0 : i32
    %dma_wait3A_1100 = tpu.memref_slice %arg5[%add3A_1080, %dma_wait3A_1099] : memref<32768x2048xf32, #tpu.memory_space<hbm>> -> memref<16x2048xf32, #tpu.memory_space<hbm>>
    %dma_wait3A_1101 = arith.constant 0 : i32
    %dma_wait3A_1102 = tpu.memref_slice %arg5[%add3A_1080, %dma_wait3A_1101] : memref<32768x2048xf32, #tpu.memory_space<hbm>> -> memref<16x2048xf32, #tpu.memory_space<hbm>>
    %dma_wait3A_1103 = arith.constant 0 : i32
    %dma_wait3A_1104 = arith.constant 0 : i32
    %dma_wait3A_1105 = tpu.memref_slice %arg9[%dma_wait3A_1094, %dma_wait3A_1103, %dma_wait3A_1104] : memref<3x16x2048xf32, #tpu.memory_space<vmem>> -> memref<1x16x2048xf32, #tpu.memory_space<vmem>>
    %dma_wait3A_1106 = tpu.memref_squeeze %dma_wait3A_1105 : memref<1x16x2048xf32, #tpu.memory_space<vmem>> -> memref<16x2048xf32, #tpu.memory_space<vmem>>
    tpu.wait_dma2 semaphore(%arg13 : memref<!tpu.dma_semaphore, #tpu.memory_space<semaphore_mem>>) src(%dma_wait3A_1106 : memref<16x2048xf32, #tpu.memory_space<vmem>>) dst(%dma_wait3A_1102 : memref<16x2048xf32, #tpu.memory_space<hbm>>)
    return
  }
}

</mosaic_0001>

<sc_bundles>
// kernel: kernel.3.cloned.1.call-start
scs
__scs_entry_jumppad:
0x0: {  	(pc) =	sbr.rel $0x88, $3  }
0x1: {  	(tag) =	ssettag $0x0;
	lr =	simm.s32 $0x1  }
0x2: {  	[smem:$0x3F9E] =	sst lr;
	_ =	strace $0xD0000000  }
0x3: {  	_ = 	snop  }
0x4: {  	_ = 	snop  }
0x5: {  	_ = 	snop  }
0x6: {  	_ = 	snop  }
0x7: {  	_ = 	snop  }
__scs_overlays_trampoline_lowered:
0x8: {  	[smem:$0x3FAD] =	sst s0  }
0x9: {  	[smem:$0x3FAE] =	sst s1  }
0xa: {  	[smem:$0x3FAF] =	sst s2  }
0xb: {  	[smem:$0x3FB0] =	sst s3  }
0xc: {  	[smem:$0x3FB1] =	sst s4  }
0xd: {  	[smem:$0x3FB2] =	sst s5  }
0xe: {  	[smem:$0x3FB3] =	sst s6  }
0xf: {  	[smem:$0x3FB4] =	sst s7  }
0x10: {  	[smem:$0x3FB5] =	sst s8  }
0x11: {  	[smem:$0x3FB6] =	sst s9;
	s0 =	simm.s32 @!p0 $0x0  }
0x12: {  	s1 =	sld [smem:$0x3F9C];
	s0 =	simm.s32 @p0 $0x1  }
0x13: {  	[smem:$0x3FB7] =	sst s0;
	s0 =	simm.s32 @!p1 $0x0  }
0x14: {  	s2 =	sld [smem:$0x3F9B];
	s0 =	simm.s32 @p1 $0x1  }
0x15: {  	[smem:$0x3FB8] =	sst s0;
	s0 =	simm.s32 @!p2 $0x0  }
0x16: {  	s3 =	sld [smem:$0x3FDB];
	s0 =	simm.s32 @p2 $0x1  }
0x17: {  	s4 =	simm.s32 $0x1BF5;
	[smem:$0x3FBA] =	sst s0  }
0x18: {  	s0 =	sld [smem:$0x3F9D];
	_ =	swait.ge [sflag:s4], $0x0  }
0x19: {  	s7 =	sld [smem:$0x3F9E]  }
0x1a: {  	s8 =	sadd.s32 $0xFFFFE003, lr  }
0x1b: {  	s9 =	sadd.s32 $0xFFFFFEF7, lr;
	s5 =	simm.s32 $0xFFFFFFFF;
	p2 =	slt.u32 s8, $0xFFFFF086  }
0x1c: {  	p1 =	slt.u32 s9, $0xF7A;
	s5 =	simm.s32 @!p2 $0x0  }
0x1d: {  	s5 =	simm.s32 @p1 $0x1;
	p0 =	seq.s32 s7, s2  }
0x1e: {  	s7 =	smul.u32 @!p0 $0xF7A, s2;
	p2 =	seq.s32 @!p0 s5, $0x0  }
0x1f: {  	s9 =	smul.u32 $0xF7A, s1;
	s8 =	simm.s32 @!p0 $0x1BF5;
	p2 =	por !p2, p0  }
0x20: {  	[sflag:s8] =	ssyncset.s32 @!p0 $0xFFFFF086;
	s6 =	sadd.s32 @!p0 s3, s7;
	s7 =	simm.s32 @!p0 $0x108  }
0x21: {  	s3 =	sadd.s32 s3, s9;
	s6 =	sadd.s32 @!p0 $0x88, s6;
	s7 =	simm.s32 @p2 $0x1082  }
0x22: {  	[simem:s7], [sflag:s8] =	dma.local @!p0 [hbm:s6], $0xF7A  }
0x23: {  	s9 =	sor.u32 $0xD0000000, s2;
	s6 =	simm.s32 $0x108;
	_ =	swait.ge @!p0 [sflag:s8], $0x0  }
0x24: {  	s3 =	sadd.s32 $0x88, s3;
	s6 =	simm.s32 @!p1 $0x1082;
	[sflag:s4] =	ssyncset.s32 $0xFFFFF086  }
0x25: {  	[simem:s6], [sflag:s4] =	dma.local [hbm:s3], $0xF7A  }
0x26: {  	[smem:$0x3F9E] =	sst s1;
	(tag) =	ssettag s2;
	_ =	strace s9  }
0x27: {  	s1 =	sld [smem:$0x3FAE]  }
0x28: {  	s2 =	sld [smem:$0x3FAF]  }
0x29: {  	s4 =	sld [smem:$0x3FB1]  }
0x2a: {  	p0 =	seq.s32 s5, $0x0;
	s5 =	sld [smem:$0x3FB2]  }
0x2b: {  	s6 =	sld [smem:$0x3FB3]  }
0x2c: {  	s7 =	sld [smem:$0x3FB4]  }
0x2d: {  	s3 =	simm.s32 $0x108;
	s8 =	sld [smem:$0x3FB5]  }
0x2e: {  	s3 =	simm.s32 @!p0 $0x1082;
	s9 =	sld [smem:$0x3FB6]  }
0x2f: {  	lr =	sadd.s32 s0, s3;
	s0 =	sld [smem:$0x3FAD]  }
0x30: {  	s3 =	sld [smem:$0x3FB0]  }
0x31: {  	[smem:$0x3FB9] =	sst s10  }
0x32: {  	s10 =	sld [smem:$0x3FB7];
	_ =	sdelay $0x3  }
0x33: {  	p0 =	seq.s32 s10, $0x1;
	s10 =	sld [smem:$0x3FB9];
	_ =	sdelay $0x3  }
0x34: {  	[smem:$0x3FB9] =	sst s10  }
0x35: {  	s10 =	sld [smem:$0x3FB8];
	_ =	sdelay $0x3  }
0x36: {  	p1 =	seq.s32 s10, $0x1;
	s10 =	sld [smem:$0x3FB9];
	_ =	sdelay $0x3  }
0x37: {  	[smem:$0x3FB9] =	sst s10  }
0x38: {  	s10 =	sld [smem:$0x3FBA]  }
0x39: {  	_ = 	snop;
	(pc) =	sbr.ind lr, $3  }
0x3a: {  	_ = 	snop  }
0x3b: {  	_ = 	snop  }
0x3c: {  	p2 =	seq.s32 s10, $0x1;
	s10 =	sld [smem:$0x3FB9]  }
0x3d: {  	_ =	shalt  }
0x3e: {  	_ =	shalt  }
0x3f: {  	_ =	shalt  }
0x40: {  	_ =	shalt  }
0x41: {  	_ =	shalt  }
0x42: {  	_ =	shalt  }
0x43: {  	_ =	shalt  }
0x44: {  	_ =	shalt  }
0x45: {  	_ =	shalt  }
0x46: {  	_ =	shalt  }
0x47: {  	_ =	shalt  }
0x48: {  	_ =	shalt  }
0x49: {  	_ =	shalt  }
0x4a: {  	_ =	shalt  }
0x4b: {  	_ =	shalt  }
0x4c: {  	_ =	shalt  }
0x4d: {  	_ =	shalt  }
0x4e: {  	_ =	shalt  }
0x4f: {  	_ =	shalt  }
0x50: {  	_ =	shalt  }
0x51: {  	_ =	shalt  }
0x52: {  	_ =	shalt  }
0x53: {  	_ =	shalt  }
0x54: {  	_ =	shalt  }
0x55: {  	_ =	shalt  }
0x56: {  	_ =	shalt  }
0x57: {  	_ =	shalt  }
0x58: {  	_ =	shalt  }
0x59: {  	_ =	shalt  }
0x5a: {  	_ =	shalt  }
0x5b: {  	_ =	shalt  }
0x5c: {  	_ =	shalt  }
0x5d: {  	_ =	shalt  }
0x5e: {  	_ =	shalt  }
0x5f: {  	_ =	shalt  }
0x60: {  	_ =	shalt  }
0x61: {  	_ =	shalt  }
0x62: {  	_ =	shalt  }
0x63: {  	_ =	shalt  }
0x64: {  	_ =	shalt  }
0x65: {  	_ =	shalt  }
0x66: {  	_ =	shalt  }
0x67: {  	_ =	shalt  }
0x68: {  	_ =	shalt  }
0x69: {  	_ =	shalt  }
0x6a: {  	_ =	shalt  }
0x6b: {  	_ =	shalt  }
0x6c: {  	_ =	shalt  }
0x6d: {  	_ =	shalt  }
0x6e: {  	_ =	shalt  }
0x6f: {  	_ =	shalt  }
0x70: {  	_ =	shalt  }
0x71: {  	_ =	shalt  }
0x72: {  	_ =	shalt  }
0x73: {  	_ =	shalt  }
0x74: {  	_ =	shalt  }
0x75: {  	_ =	shalt  }
0x76: {  	_ =	shalt  }
0x77: {  	_ =	shalt  }
0x78: {  	_ =	shalt  }
0x79: {  	_ =	shalt  }
0x7a: {  	_ =	shalt  }
0x7b: {  	_ =	shalt  }
0x7c: {  	_ =	shalt  }
0x7d: {  	_ =	shalt  }
0x7e: {  	_ =	shalt  }
0x7f: {  	_ =	shalt  }
0x80: {  	_ =	shalt  }
0x81: {  	_ =	shalt  }
0x82: {  	_ =	shalt  }
0x83: {  	_ =	shalt  }
0x84: {  	_ =	shalt  }
0x85: {  	_ =	shalt  }
0x86: {  	_ =	shalt  }
0x87: {  	_ =	shalt  }
.Lfunc_end0:
.L_simem_size_0:
called_computation_lowered:
.L_overlay_start_0:
0x88: {  	s2 =	sld [smem:$0x3FD9]  }
0x89: {  	s3 =	sld [smem:$0x3FFE];
	_ =	sdelay $0x1  }
0x8a: {  	s1 =	srdreg.scid  }
0x8b: {  	s0 =	sand.u32 $0x1, s1  }
0x8c: {  	s17 =	sshll.u32 s0, $0xA;
	s2 =	sadd.s32 s3, s2  }
0x8d: {  	s2 =	sadd.s32 s2, s17  }
0x8e: {  	[smem:$0x3FC5] =	sst s2  }
0x8f: {  	_ = 	snop  }
0x90: {  	s2 =	sld [smem:$0x3FC7]  }
0x91: {  	s18 =	sld [smem:$0x3FD0];
	(tm) =	ssettm $0x1  }
0x92: {  	s4 =	sld [smem:$0x3FFB];
	_ =	sdelay $0x3  }
0x93: {  	_ =	strace s4  }
0x94: {  	s4 =	sld [smem:$0x3FFC];
	_ =	sdelay $0x3  }
0x95: {  	_ =	strace s4  }
0x96: {  	s4 =	sld [smem:$0x3FFD];
	_ =	sdelay $0x3  }
0x97: {  	_ =	strace s4  }
0x98: {  	_ =	strace $0x8FFFFFFF  }
0x99: {  	s19 =	sld [smem:$0x3FDB];
	_ =	sdelay $0x1  }
0x9a: {  	s5 =	simm.s32 $_scs_section_size  }
0x9b: {  	s6 =	simm.s32 $_size__tile_overlayer_lowered;
	s7 =	simm.s32 $_tile_overlayer_lowered  }
0x9c: {  	s22 =	simm.s32 $0x1BFF;
	s21 =	sshll.u32 s7, $0x1;
	s4 =	sadd.s32 s5, s19  }
0x9d: {  	s8 =	simm.s32 $0x0;
	s20 =	sshll.u32 s6, $0x1;
	s6 =	sadd.s32 s21, s4  }
0x9e: {  	[timem:s8], [sflag:s22] =	dma.local [hbm:s6], s20  }
0x9f: {  	_ =	swait.ge [sflag:s22], s20  }
0xa0: {  	s5 =	ssub.s32 $0x0, s20;
	[sflag:s22] =	ssyncset.done $0x0  }
0xa1: {  	[sflag:s22] =	ssyncadd.s32 s5;
	_ =	sdelay $0x1  }
0xa2: {  	s23 =	simm.s32 $0x1B8B  }
0xa3: {  	_ =	swait.ge [sflag:s23], $0x1  }
0xa4: {  	[sflag:s23] =	ssyncset.done $0x0  }
0xa5: {  	s25 =	simm.s32 $0x1B8E;
	s24 =	sld [smem:$0x3FFE];
	[sflag:s23] =	ssyncadd.s32 $0xFFFFFFFF  }
0xa6: {  	s26 =	simm.s32 $execute0_lowered;
	[smem:$0x3FD2] =	sst s25  }
0xa7: {  	s6 =	sshll.u32 s26, $0x1;
	_ =	strace $0x80000046;
	[dreg:$0x1] =	wrdreg $0xFFFFFFFF  }
0xa8: {  	s28 =	simm.s32 $_size_execute0_lowered;
	s4 =	sadd.s32 s4, s6;
	[dreg:$0x0] =	wrdreg $0x0  }
0xa9: {  	s6 =	sshll.u32 s28, $0x1;
	[dreg:$0x2] =	wrdreg s4  }
0xaa: {  	[dreg:$0x3] =	wrdreg s6  }
0xab: {  	[dreg:$0x4] =	wrdreg $0xC0  }
0xac: {  	_ =	task [dreg:s8], $0x5FFFF  }
0xad: {  	[dreg:$0x1] =	wrdreg $0xFFFFFFFF  }
0xae: {  	[dreg:$0x0] =	wrdreg $0x60  }
0xaf: {  	[dreg:$0x2] =	wrdreg s24  }
0xb0: {  	[dreg:$0x3] =	wrdreg s2  }
0xb1: {  	[dreg:$0x4] =	wrdreg s18  }
0xb2: {  	[dreg:$0x5] =	wrdreg $0x9  }
0xb3: {  	_ =	task.clear_ibuf [dreg:s8], $0x6FFFF;
	_ =	strace $0x90000046  }
0xb4: {  	s29 =	simm.s32 $0x9;
	_ =	strace $0x80000048  }
0xb5: {  	_ =	swait.ge [sflag:s29], $0x1  }
0xb6: {  	[sflag:s29] =	ssyncadd.s32 $0xFFFFFFFF  }
0xb7: {  	_ =	strace $0x90000048  }
0xb8: {  	_ =	sfence  }
0xb9: {  	s30 =	sld [smem:$0x0];
	_ =	sdelay $0x2  }
0xba: {  	s31 =	sshll.u32 s1, $0xD;
	s1 =	sshrl.u32 s1, $0x2  }
0xbb: {  	s3 =	sand.u32 $0x4000, s31;
	s1 =	sadd.s32 s1, s30  }
0xbc: {  	s0 =	sor.u32 s3, s0;
	s1 =	sshll.u32 s1, $0x11  }
0xbd: {  	s0 =	sor.u32 s1, s0  }
0xbe: {  	s0 =	sadd.s32 $0x8F2B, s0  }
0xbf: {  	[sflag:s0] =	ssyncadd.remote.s32 $0x1  }
0xc0: {  	_ =	sfence.sel $0xFFFF  }
0xc1: {  	[dreg:$0x0] =	wrdreg $0xFFFFFFFF;
	(pc) =	sbr.abs _section_cstart, $3  }
0xc2: {  	[dreg:$0x1] =	wrdreg $0xFFFFFFFF  }
0xc3: {  	_ =	task.clear_ibuf [dreg:s8], $0x2FFFF;
	_ =	strace $0x9FFFFFFF  }
0xc4: {  	(tm) =	ssettm $0x7FFFFFFF  }
0xc5: {  	_ =	shalt  }
tec
execute0_lowered:
.L_overlay_start_1:
0x0: {  	(tag) =	ssettag $0x1  }
0x1: {  	s0 =	rddreg [dreg:$0x0]  }
0x2: {  	s1 =	rddreg [dreg:$0x1]  }
0x3: {  	s2 =	rddreg [dreg:$0x2];
	s3 =	simm.s32 $0x0;
	s4 =	srdreg.scid  }
0x4: {  	s16 =	stileid.u32;
	s28 =	simm.s32 $0x18000;
	s29 =	simm.s32 $0x18800  }
0x5: {  	s30 =	simm.s32 $0x19000;
	s31 =	simm.s32 $0x19800;
	s19 =	simm.s32 $0x4  }
0x6: {  	s17 =	simm.s32 $0x0;
	[smem:$0x7FF] =	sst s3;
	s4 =	sand.u32 $0x1, s4  }
0x7: {  	s5 =	sshll.u32 s16, $0xB;
	s13 =	sadd.s32 $0x400, s0;
	s0 =	sadd.s32 $0x1400, s0  }
0x8: {  	s8 =	sadd.s32 $0x300, s1;
	s9 =	sadd.s32 $0x400, s1;
	s10 =	sadd.s32 $0x500, s1  }
0x9: {  	s12 =	sadd.s32 $0x700, s1;
	s24 =	sshll.u32 s16, $0x13;
	s16 =	simm.s32 $0x3  }
0xa: {  	_ =	strace $0x80000047;
	s6 =	sshll.u32 s4, $0xA;
	s7 =	ssub.s32 $0x2, s4  }
0xb: {  	s4 =	sshll.u32 s4, $0x12;
	s5 =	sor.u32 s6, s5;
	s20 =	sshrl.u32 s7, $0x1  }
0xc: {  	s6 =	sadd.s32 $0x100, s1;
	s11 =	sshrl.u32 s5, $0x3;
	s14 =	ssub.s32 s7, s20  }
0xd: {  	s7 =	sadd.s32 $0x200, s1;
	s23 =	sshll.u32 s5, $0x8;
	s20 =	simm.s32 $0x2800  }
0xe: {  	s5 =	simm.s32 $0x6;
	s21 =	sadd.s32 s13, s11;
	s22 =	sadd.s32 s0, s11  }
0xf: {  	s15 =	sor.u32 $0x6, s11;
	s11 =	sadd.s32 $0x600, s1;
	[dreg:$0x4] =	wrdreg s21  }
0x10: {  	s25 =	smax.u32 s14, $0x1;
	s14 =	simm.s32 $0x12800;
	[dreg:$0x5] =	wrdreg s22  }
0x11: {  	s13 =	sadd.s32 s13, s15;
	s0 =	sadd.s32 s0, s15;
	[dreg:$0x9] =	wrdreg s25  }
0x12: {  	s25 =	simm.s32 $0x17000;
	s15 =	simm.s32 $0x2;
	[dreg:$0x6] =	wrdreg s13  }
.Ltmp0:
0x13: {  	[dreg:$0x7] =	wrdreg s0;
	s0 =	sadd.s32 s23, s2;
	(pc) =	sbr.rel .LBB2_1-.Ltmp0, $4  }
0x14: {  	s2 =	sadd.s32 s24, s2;
	s23 =	simm.s32 $0x16000;
	s24 =	simm.s32 $0x16800  }
0x15: {  	v2 =	vlaneseq.u32;
	s0 =	sadd.s32 $0x3F000, s0;
	s26 =	sadd.s32 s4, s2;
	s2 =	simm.s32 $0x1  }
0x16: {  	vm0 =	vmmov $0xffff;
	v1 =	vshrl.u32 v2, $0x3;
	s4 =	simm.s32 $0x5;
	[dreg:$0x8] =	wrdreg s0;
	s0 =	sadd.s32 $0x2000, s26  }
0x17: {  	v0 =	vand.u32 $0x7, v2;
	v2 =	vor.u32 $0x8, v2;
	v1 =	vmul.u32 $0x8, v1;
	s26 =	simm.s32 $0x17800;
	[dreg:$0xa] =	wrdreg s0;
	s0 =	simm.s32 $0x1A000  }
.LBB2_4:
0x18: {  	_ =	swait.ge [sflag:s2], $0x8000  }
0x19: {  	[sflag:s2] =	ssyncset.done $0x0  }
0x1a: {  	s13 =	rddreg [dreg:$0x8];
	[sflag:s2] =	ssyncadd.s32 $0xFFFF8000  }
0x1b: {  	[hbm4b:s13+s3] =	stream.linear.scatter [tilespmem:s20], [sflag:$0x4], $0x8000, $0x38;
	[tilespmem:$0x1A800] =	vst v63  }
0x1c: {  	_ =	swait.ge [sflag:s19], $0x8000  }
0x1d: {  	s17 =	rddreg [dreg:$0xb]  }
0x1e: {  	s22 =	rddreg [dreg:$0x9];
	s17 =	sadd.s32 $0x1, s17  }
0x1f: {  	p0 =	sne.s32 s17, s22  }
.Ltmp1:
0x20: {  	_ = 	snop;
	(pc) =	sbr.rel @!p0 .LBB2_5-.Ltmp1, $3  }
0x21: {  	_ =	sdelay $0x1  }
0x22: {  	[sflag:s19] =	ssyncset.done $0x0  }
0x23: {  	[sflag:s19] =	ssyncadd.s32 $0xFFFF8000  }
.LBB2_1:
0x24: {  	[dreg:$0xb] =	wrdreg s17  }
0x25: {  	s13 =	rddreg [dreg:$0x4];
	s17 =	simm.s32 $0x7  }
0x26: {  	[tilespmem:s3], [sflag:$0x7] =	stream.linear.gather [hbm4b:s13+s3], $0x30, $0x38;
	[tilespmem:$0x1A800] =	vst v63  }
0x27: {  	_ =	swait.ge [sflag:s17], $0x30  }
0x28: {  	[sflag:s17] =	ssyncset.done $0x0  }
0x29: {  	s18 =	simm.s32 $0x400;
	s22 =	rddreg [dreg:$0x5];
	[sflag:s17] =	ssyncadd.s32 $0xFFFFFFD0  }
0x2a: {  	[tilespmem:s18], [sflag:$0x7] =	stream.linear.gather [hbm4b:s22+s3], $0x30, $0x38;
	[tilespmem:$0x1A800] =	vst v63  }
0x2b: {  	_ =	swait.ge [sflag:s17], $0x30  }
0x2c: {  	[sflag:s17] =	ssyncset.done $0x0  }
0x2d: {  	[sflag:s17] =	ssyncadd.s32 $0xFFFFFFD0  }
0x2e: {  	v3 =	vld [tilespmem:$0x400];
	_ =	sdelay $0x1  }
0x2f: {  	v4 =	vld [tilespmem:$0x0];
	_ =	sdelay $0x2  }
0x30: {  	v3 =	vmul.u32 $0x803, v3;
	_ =	sdelay $0x1  }
0x31: {  	v3 =	vadd.s32 v4, v3  }
0x32: {  	v59 =	vld [tilespmem:$0x410];
	v5 =	vshll.u32 v3, $0x4  }
0x33: {  	v6 =	vld [tilespmem:$0x420];
	v7 =	vand.u32 $0x7, v3;
	v5 =	vand.u32 $0xFFFFFF80, v5  }
0x34: {  	v8 =	vld [tilespmem:$0x10];
	v5 =	vor.u32 v7, v5  }
0x35: {  	v60 =	vld [tilespmem:$0x20];
	v9 =	vperm.xlane v5, v0;
	_ =	sdelay $0x1  }
0x36: {  	v4 =	vmul.u32 $0x803, v59;
	v9 =	vadd.s32 v1, v9  }
0x37: {  	v6 =	vmul.u32 $0x803, v6  }
0x38: {  	[tilespmem:$0x800] =	vst v3;
	v3 =	vadd.s32 v8, v4  }
0x39: {  	[tilespmem:$0x880] =	vst v3;
	v3 =	vadd.s32 v60, v6  }
0x3a: {  	[tilespmem:$0x900] =	vst v3  }
0x3b: {  	[tilespmem:s20], [sflag:$0x1] =	stream.indirect_vreg.gather [hbm4b:s1+s3], $0x80, v9, vm0, $0xb8;
	[tilespmem:$0x1A800] =	vst v63  }
0x3c: {  	s18 =	simm.s32 $0x3000  }
0x3d: {  	[tilespmem:s18], [sflag:$0x1] =	stream.indirect_vreg.gather [hbm4b:s6+s3], $0x80, v9, vm0, $0xb8;
	[tilespmem:$0x1A800] =	vst v63  }
0x3e: {  	s21 =	simm.s32 $0x3800  }
0x3f: {  	[tilespmem:s21], [sflag:$0x1] =	stream.indirect_vreg.gather [hbm4b:s7+s3], $0x80, v9, vm0, $0xb8;
	[tilespmem:$0x1A800] =	vst v63  }
0x40: {  	s22 =	simm.s32 $0x4000  }
0x41: {  	[tilespmem:s22], [sflag:$0x1] =	stream.indirect_vreg.gather [hbm4b:s8+s3], $0x80, v9, vm0, $0xb8;
	[tilespmem:$0x1A800] =	vst v63  }
0x42: {  	s18 =	simm.s32 $0x4800  }
0x43: {  	[tilespmem:s18], [sflag:$0x1] =	stream.indirect_vreg.gather [hbm4b:s9+s3], $0x80, v9, vm0, $0xb8;
	[tilespmem:$0x1A800] =	vst v63  }
0x44: {  	v3 =	vperm.xlane v5, v2;
	s21 =	simm.s32 $0x5000  }
0x45: {  	[tilespmem:s21], [sflag:$0x1] =	stream.indirect_vreg.gather [hbm4b:s10+s3], $0x80, v9, vm0, $0xb8;
	[tilespmem:$0x1A800] =	vst v63  }
0x46: {  	v3 =	vadd.s32 v1, v3;
	s22 =	simm.s32 $0x5800  }
0x47: {  	[tilespmem:s22], [sflag:$0x1] =	stream.indirect_vreg.gather [hbm4b:s11+s3], $0x80, v9, vm0, $0xb8;
	[tilespmem:$0x1A800] =	vst v63  }
0x48: {  	s18 =	simm.s32 $0x6000  }
0x49: {  	[tilespmem:s18], [sflag:$0x1] =	stream.indirect_vreg.gather [hbm4b:s12+s3], $0x80, v9, vm0, $0xb8;
	[tilespmem:$0x1A800] =	vst v63  }
0x4a: {  	s21 =	simm.s32 $0x6800  }
0x4b: {  	[tilespmem:s21], [sflag:$0x1] =	stream.indirect_vreg.gather [hbm4b:s1+s3], $0x80, v3, vm0, $0xb8;
	[tilespmem:$0x1A800] =	vst v63  }
0x4c: {  	s22 =	simm.s32 $0x7000  }
0x4d: {  	[tilespmem:s22], [sflag:$0x1] =	stream.indirect_vreg.gather [hbm4b:s6+s3], $0x80, v3, vm0, $0xb8;
	[tilespmem:$0x1A800] =	vst v63  }
0x4e: {  	s18 =	simm.s32 $0x7800  }
0x4f: {  	[tilespmem:s18], [sflag:$0x1] =	stream.indirect_vreg.gather [hbm4b:s7+s3], $0x80, v3, vm0, $0xb8;
	[tilespmem:$0x1A800] =	vst v63  }
0x50: {  	s21 =	simm.s32 $0x8000  }
0x51: {  	[tilespmem:s21], [sflag:$0x1] =	stream.indirect_vreg.gather [hbm4b:s8+s3], $0x80, v3, vm0, $0xb8;
	[tilespmem:$0x1A800] =	vst v63  }
0x52: {  	s22 =	simm.s32 $0x8800  }
0x53: {  	[tilespmem:s22], [sflag:$0x1] =	stream.indirect_vreg.gather [hbm4b:s9+s3], $0x80, v3, vm0, $0xb8;
	[tilespmem:$0x1A800] =	vst v63  }
0x54: {  	s18 =	simm.s32 $0x9000  }
0x55: {  	[tilespmem:s18], [sflag:$0x1] =	stream.indirect_vreg.gather [hbm4b:s10+s3], $0x80, v3, vm0, $0xb8;
	[tilespmem:$0x1A800] =	vst v63  }
0x56: {  	s21 =	simm.s32 $0x9800  }
0x57: {  	[tilespmem:s21], [sflag:$0x1] =	stream.indirect_vreg.gather [hbm4b:s11+s3], $0x80, v3, vm0, $0xb8;
	[tilespmem:$0x1A800] =	vst v63  }
0x58: {  	s22 =	simm.s32 $0xA000  }
0x59: {  	[tilespmem:s22], [sflag:$0x1] =	stream.indirect_vreg.gather [hbm4b:s12+s3], $0x80, v3, vm0, $0xb8;
	[tilespmem:$0x1A800] =	vst v63  }
0x5a: {  	v3 =	vld [tilespmem:$0x880];
	_ =	sdelay $0x4  }
0x5b: {  	v61 =	vshll.u32 v3, $0x4  }
0x5c: {  	v3 =	vand.u32 $0x7, v3;
	v4 =	vand.u32 $0xFFFFFF80, v61  }
0x5d: {  	v3 =	vor.u32 v3, v4  }
0x5e: {  	v4 =	vperm.xlane v3, v0;
	_ =	sdelay $0x1  }
0x5f: {  	v4 =	vadd.s32 v1, v4;
	_ =	sdelay $0x3  }
0x60: {  	s18 =	simm.s32 $0xA800  }
0x61: {  	[tilespmem:s18], [sflag:$0x2] =	stream.indirect_vreg.gather [hbm4b:s1+s3], $0x80, v4, vm0, $0xb8;
	[tilespmem:$0x1A800] =	vst v63  }
0x62: {  	s21 =	simm.s32 $0xB000  }
0x63: {  	[tilespmem:s21], [sflag:$0x2] =	stream.indirect_vreg.gather [hbm4b:s6+s3], $0x80, v4, vm0, $0xb8;
	[tilespmem:$0x1A800] =	vst v63  }
0x64: {  	s22 =	simm.s32 $0xB800  }
0x65: {  	[tilespmem:s22], [sflag:$0x2] =	stream.indirect_vreg.gather [hbm4b:s7+s3], $0x80, v4, vm0, $0xb8;
	[tilespmem:$0x1A800] =	vst v63  }
0x66: {  	s18 =	simm.s32 $0xC000  }
0x67: {  	[tilespmem:s18], [sflag:$0x2] =	stream.indirect_vreg.gather [hbm4b:s8+s3], $0x80, v4, vm0, $0xb8;
	[tilespmem:$0x1A800] =	vst v63  }
0x68: {  	s21 =	simm.s32 $0xC800  }
0x69: {  	[tilespmem:s21], [sflag:$0x2] =	stream.indirect_vreg.gather [hbm4b:s9+s3], $0x80, v4, vm0, $0xb8;
	[tilespmem:$0x1A800] =	vst v63  }
0x6a: {  	v3 =	vperm.xlane v3, v2;
	s22 =	simm.s32 $0xD000  }
0x6b: {  	[tilespmem:s22], [sflag:$0x2] =	stream.indirect_vreg.gather [hbm4b:s10+s3], $0x80, v4, vm0, $0xb8;
	[tilespmem:$0x1A800] =	vst v63  }
0x6c: {  	v3 =	vadd.s32 v1, v3;
	s18 =	simm.s32 $0xD800  }
0x6d: {  	[tilespmem:s18], [sflag:$0x2] =	stream.indirect_vreg.gather [hbm4b:s11+s3], $0x80, v4, vm0, $0xb8;
	[tilespmem:$0x1A800] =	vst v63  }
0x6e: {  	s21 =	simm.s32 $0xE000  }
0x6f: {  	[tilespmem:s21], [sflag:$0x2] =	stream.indirect_vreg.gather [hbm4b:s12+s3], $0x80, v4, vm0, $0xb8;
	[tilespmem:$0x1A800] =	vst v63  }
0x70: {  	s22 =	simm.s32 $0xE800  }
0x71: {  	[tilespmem:s22], [sflag:$0x2] =	stream.indirect_vreg.gather [hbm4b:s1+s3], $0x80, v3, vm0, $0xb8;
	[tilespmem:$0x1A800] =	vst v63  }
0x72: {  	s18 =	simm.s32 $0xF000  }
0x73: {  	[tilespmem:s18], [sflag:$0x2] =	stream.indirect_vreg.gather [hbm4b:s6+s3], $0x80, v3, vm0, $0xb8;
	[tilespmem:$0x1A800] =	vst v63  }
0x74: {  	s21 =	simm.s32 $0xF800  }
0x75: {  	[tilespmem:s21], [sflag:$0x2] =	stream.indirect_vreg.gather [hbm4b:s7+s3], $0x80, v3, vm0, $0xb8;
	[tilespmem:$0x1A800] =	vst v63  }
0x76: {  	s22 =	simm.s32 $0x10000  }
0x77: {  	[tilespmem:s22], [sflag:$0x2] =	stream.indirect_vreg.gather [hbm4b:s8+s3], $0x80, v3, vm0, $0xb8;
	[tilespmem:$0x1A800] =	vst v63  }
0x78: {  	s18 =	simm.s32 $0x10800  }
0x79: {  	[tilespmem:s18], [sflag:$0x2] =	stream.indirect_vreg.gather [hbm4b:s9+s3], $0x80, v3, vm0, $0xb8;
	[tilespmem:$0x1A800] =	vst v63  }
0x7a: {  	s21 =	simm.s32 $0x11000  }
0x7b: {  	[tilespmem:s21], [sflag:$0x2] =	stream.indirect_vreg.gather [hbm4b:s10+s3], $0x80, v3, vm0, $0xb8;
	[tilespmem:$0x1A800] =	vst v63  }
0x7c: {  	s22 =	simm.s32 $0x11800  }
0x7d: {  	[tilespmem:s22], [sflag:$0x2] =	stream.indirect_vreg.gather [hbm4b:s11+s3], $0x80, v3, vm0, $0xb8;
	[tilespmem:$0x1A800] =	vst v63  }
0x7e: {  	s18 =	simm.s32 $0x12000  }
0x7f: {  	[tilespmem:s18], [sflag:$0x2] =	stream.indirect_vreg.gather [hbm4b:s12+s3], $0x80, v3, vm0, $0xb8;
	[tilespmem:$0x1A800] =	vst v63  }
0x80: {  	v3 =	vld [tilespmem:$0x900];
	_ =	sdelay $0x4  }
0x81: {  	v62 =	vshll.u32 v3, $0x4  }
0x82: {  	v3 =	vand.u32 $0x7, v3;
	v4 =	vand.u32 $0xFFFFFF80, v62  }
0x83: {  	v3 =	vor.u32 v3, v4  }
0x84: {  	v4 =	vperm.xlane v3, v0;
	_ =	sdelay $0x1  }
0x85: {  	v4 =	vadd.s32 v1, v4;
	_ =	sdelay $0x4  }
0x86: {  	[tilespmem:s14], [sflag:$0x3] =	stream.indirect_vreg.gather [hbm4b:s1+s3], $0x80, v4, vm0, $0xb8;
	[tilespmem:$0x1A800] =	vst v63  }
0x87: {  	s21 =	simm.s32 $0x13000  }
0x88: {  	[tilespmem:s21], [sflag:$0x3] =	stream.indirect_vreg.gather [hbm4b:s6+s3], $0x80, v4, vm0, $0xb8;
	[tilespmem:$0x1A800] =	vst v63  }
0x89: {  	s22 =	simm.s32 $0x13800  }
0x8a: {  	[tilespmem:s22], [sflag:$0x3] =	stream.indirect_vreg.gather [hbm4b:s7+s3], $0x80, v4, vm0, $0xb8;
	[tilespmem:$0x1A800] =	vst v63  }
0x8b: {  	s18 =	simm.s32 $0x14000  }
0x8c: {  	[tilespmem:s18], [sflag:$0x3] =	stream.indirect_vreg.gather [hbm4b:s8+s3], $0x80, v4, vm0, $0xb8;
	[tilespmem:$0x1A800] =	vst v63  }
0x8d: {  	s21 =	simm.s32 $0x14800  }
0x8e: {  	[tilespmem:s21], [sflag:$0x3] =	stream.indirect_vreg.gather [hbm4b:s9+s3], $0x80, v4, vm0, $0xb8;
	[tilespmem:$0x1A800] =	vst v63  }
0x8f: {  	v3 =	vperm.xlane v3, v2;
	s22 =	simm.s32 $0x15000  }
0x90: {  	[tilespmem:s22], [sflag:$0x3] =	stream.indirect_vreg.gather [hbm4b:s10+s3], $0x80, v4, vm0, $0xb8;
	[tilespmem:$0x1A800] =	vst v63  }
0x91: {  	v3 =	vadd.s32 v1, v3;
	s18 =	simm.s32 $0x15800  }
0x92: {  	[tilespmem:s18], [sflag:$0x3] =	stream.indirect_vreg.gather [hbm4b:s11+s3], $0x80, v4, vm0, $0xb8;
	[tilespmem:$0x1A800] =	vst v63  }
0x93: {  	_ = 	snop  }
0x94: {  	[tilespmem:s23], [sflag:$0x3] =	stream.indirect_vreg.gather [hbm4b:s12+s3], $0x80, v4, vm0, $0xb8;
	[tilespmem:$0x1A800] =	vst v63  }
0x95: {  	_ = 	snop  }
0x96: {  	[tilespmem:s24], [sflag:$0x3] =	stream.indirect_vreg.gather [hbm4b:s1+s3], $0x80, v3, vm0, $0xb8;
	[tilespmem:$0x1A800] =	vst v63  }
0x97: {  	_ = 	snop  }
0x98: {  	[tilespmem:s25], [sflag:$0x3] =	stream.indirect_vreg.gather [hbm4b:s6+s3], $0x80, v3, vm0, $0xb8;
	[tilespmem:$0x1A800] =	vst v63  }
0x99: {  	_ = 	snop  }
0x9a: {  	[tilespmem:s26], [sflag:$0x3] =	stream.indirect_vreg.gather [hbm4b:s7+s3], $0x80, v3, vm0, $0xb8;
	[tilespmem:$0x1A800] =	vst v63  }
0x9b: {  	_ = 	snop  }
0x9c: {  	[tilespmem:s28], [sflag:$0x3] =	stream.indirect_vreg.gather [hbm4b:s8+s3], $0x80, v3, vm0, $0xb8;
	[tilespmem:$0x1A800] =	vst v63  }
0x9d: {  	_ = 	snop  }
0x9e: {  	[tilespmem:s29], [sflag:$0x3] =	stream.indirect_vreg.gather [hbm4b:s9+s3], $0x80, v3, vm0, $0xb8;
	[tilespmem:$0x1A800] =	vst v63  }
0x9f: {  	_ = 	snop  }
0xa0: {  	[tilespmem:s30], [sflag:$0x3] =	stream.indirect_vreg.gather [hbm4b:s10+s3], $0x80, v3, vm0, $0xb8;
	[tilespmem:$0x1A800] =	vst v63  }
0xa1: {  	_ = 	snop  }
0xa2: {  	[tilespmem:s31], [sflag:$0x3] =	stream.indirect_vreg.gather [hbm4b:s11+s3], $0x80, v3, vm0, $0xb8;
	[tilespmem:$0x1A800] =	vst v63  }
0xa3: {  	_ = 	snop  }
0xa4: {  	[tilespmem:s0], [sflag:$0x3] =	stream.indirect_vreg.gather [hbm4b:s12+s3], $0x80, v3, vm0, $0xb8;
	[tilespmem:$0x1A800] =	vst v63  }
0xa5: {  	s21 =	rddreg [dreg:$0x6];
	s22 =	simm.s32 $0x30  }
0xa6: {  	[tilespmem:s22], [sflag:$0x7] =	stream.linear.gather [hbm4b:s21+s3], $0x3D0, $0x38;
	[tilespmem:$0x1A800] =	vst v63  }
0xa7: {  	_ =	swait.ge [sflag:s17], $0x3D0  }
0xa8: {  	[sflag:s17] =	ssyncset.done $0x0  }
0xa9: {  	s22 =	simm.s32 $0x430;
	s21 =	rddreg [dreg:$0x7];
	[sflag:s17] =	ssyncadd.s32 $0xFFFFFC30  }
0xaa: {  	[tilespmem:s22], [sflag:$0x7] =	stream.linear.gather [hbm4b:s21+s3], $0x3D0, $0x38;
	[tilespmem:$0x1A800] =	vst v63  }
0xab: {  	_ =	swait.ge [sflag:s17], $0x3D0  }
0xac: {  	[sflag:s17] =	ssyncset.done $0x0  }
0xad: {  	[sflag:s17] =	ssyncadd.s32 $0xFFFFFC30  }
0xae: {  	v5 =	vld [tilespmem:$0x30]  }
0xaf: {  	v3 =	vld [tilespmem:$0x430]  }
0xb0: {  	v6 =	vld [tilespmem:$0x40]  }
0xb1: {  	v7 =	vld [tilespmem:$0x440]  }
0xb2: {  	v8 =	vld [tilespmem:$0x50]  }
0xb3: {  	v9 =	vld [tilespmem:$0x450]  }
0xb4: {  	v10 =	vld [tilespmem:$0x60]  }
0xb5: {  	v11 =	vld [tilespmem:$0x460]  }
0xb6: {  	v12 =	vld [tilespmem:$0x70]  }
0xb7: {  	v13 =	vld [tilespmem:$0x470]  }
0xb8: {  	v14 =	vld [tilespmem:$0x80]  }
0xb9: {  	v15 =	vld [tilespmem:$0x480]  }
0xba: {  	v16 =	vld [tilespmem:$0x90]  }
0xbb: {  	v17 =	vld [tilespmem:$0x490]  }
0xbc: {  	v18 =	vld [tilespmem:$0xA0]  }
0xbd: {  	v19 =	vld [tilespmem:$0x4A0]  }
0xbe: {  	v20 =	vld [tilespmem:$0xB0]  }
0xbf: {  	v21 =	vld [tilespmem:$0x4B0]  }
0xc0: {  	v22 =	vld [tilespmem:$0xC0]  }
0xc1: {  	v23 =	vld [tilespmem:$0x4C0]  }
0xc2: {  	v24 =	vld [tilespmem:$0xD0]  }
0xc3: {  	v25 =	vld [tilespmem:$0x4D0]  }
0xc4: {  	v26 =	vld [tilespmem:$0xE0]  }
0xc5: {  	v27 =	vld [tilespmem:$0x4E0]  }
0xc6: {  	v28 =	vld [tilespmem:$0xF0]  }
0xc7: {  	v29 =	vld [tilespmem:$0x4F0]  }
0xc8: {  	v30 =	vld [tilespmem:$0x100]  }
0xc9: {  	v31 =	vld [tilespmem:$0x500]  }
0xca: {  	v32 =	vld [tilespmem:$0x110]  }
0xcb: {  	v33 =	vld [tilespmem:$0x510]  }
0xcc: {  	v34 =	vld [tilespmem:$0x120]  }
0xcd: {  	v35 =	vld [tilespmem:$0x520]  }
0xce: {  	v36 =	vld [tilespmem:$0x130]  }
0xcf: {  	v37 =	vld [tilespmem:$0x530]  }
0xd0: {  	v38 =	vld [tilespmem:$0x140]  }
0xd1: {  	v39 =	vld [tilespmem:$0x540]  }
0xd2: {  	v40 =	vld [tilespmem:$0x150]  }
0xd3: {  	v60 =	vld [tilespmem:$0x200]  }
0xd4: {  	v62 =	vld [tilespmem:$0x210]  }
0xd5: {  	v63 =	vld [tilespmem:$0x1F0]  }
0xd6: {  	v41 =	vld [tilespmem:$0x550]  }
0xd7: {  	v42 =	vld [tilespmem:$0x160]  }
0xd8: {  	[tilespmem:$0x1FFC0] =	vst v60;
	v60 =	vld [tilespmem:$0x220];
	v3 =	vmul.u32 $0x803, v3  }
0xd9: {  	[tilespmem:$0x1FFD0] =	vst v62;
	v62 =	vld [tilespmem:$0x230];
	v7 =	vmul.u32 $0x803, v7  }
0xda: {  	v43 =	vld [tilespmem:$0x560];
	[tilespmem:$0x1FFB0] =	vst v63;
	v3 =	vadd.s32 v5, v3  }
0xdb: {  	v44 =	vld [tilespmem:$0x170];
	[tilespmem:$0x980] =	vst v3;
	v3 =	vadd.s32 v6, v7  }
0xdc: {  	v45 =	vld [tilespmem:$0x570];
	v9 =	vmul.u32 $0x803, v9;
	[tilespmem:$0xA00] =	vst v3  }
0xdd: {  	v46 =	vld [tilespmem:$0x180];
	v6 =	vmul.u32 $0x803, v11;
	[tilespmem:$0x1FFE0] =	vst v60  }
0xde: {  	v47 =	vld [tilespmem:$0x580];
	v13 =	vmul.u32 $0x803, v13;
	v3 =	vadd.s32 v8, v9;
	[tilespmem:$0x1FFF0] =	vst v62  }
0xdf: {  	v48 =	vld [tilespmem:$0x190];
	v15 =	vmul.u32 $0x803, v15;
	[tilespmem:$0xA80] =	vst v3;
	v3 =	vadd.s32 v10, v6  }
0xe0: {  	v49 =	vld [tilespmem:$0x590];
	v17 =	vmul.u32 $0x803, v17;
	[tilespmem:$0xB00] =	vst v3;
	v3 =	vadd.s32 v12, v13  }
0xe1: {  	v50 =	vld [tilespmem:$0x1A0];
	v19 =	vmul.u32 $0x803, v19;
	[tilespmem:$0xB80] =	vst v3;
	v3 =	vadd.s32 v14, v15  }
0xe2: {  	v51 =	vld [tilespmem:$0x5A0];
	[tilespmem:$0xC00] =	vst v3;
	v3 =	vadd.s32 v16, v17;
	v17 =	vmul.u32 $0x803, v21  }
0xe3: {  	v52 =	vld [tilespmem:$0x1B0];
	[tilespmem:$0xC80] =	vst v3;
	v3 =	vadd.s32 v18, v19;
	v19 =	vmul.u32 $0x803, v23  }
0xe4: {  	v53 =	vld [tilespmem:$0x5B0];
	[tilespmem:$0xD00] =	vst v3;
	v3 =	vadd.s32 v20, v17;
	v20 =	vmul.u32 $0x803, v25  }
0xe5: {  	v54 =	vld [tilespmem:$0x1C0];
	v21 =	vmul.u32 $0x803, v27;
	[tilespmem:$0xD80] =	vst v3;
	v3 =	vadd.s32 v22, v19  }
0xe6: {  	v55 =	vld [tilespmem:$0x5C0];
	v22 =	vmul.u32 $0x803, v29;
	[tilespmem:$0xE00] =	vst v3;
	v3 =	vadd.s32 v24, v20  }
0xe7: {  	v56 =	vld [tilespmem:$0x1D0];
	v23 =	vmul.u32 $0x803, v31;
	[tilespmem:$0xE80] =	vst v3;
	v3 =	vadd.s32 v26, v21  }
0xe8: {  	v57 =	vld [tilespmem:$0x5D0];
	v24 =	vmul.u32 $0x803, v33;
	[tilespmem:$0xF00] =	vst v3;
	v3 =	vadd.s32 v28, v22  }
0xe9: {  	v58 =	vld [tilespmem:$0x1E0];
	v25 =	vmul.u32 $0x803, v35;
	[tilespmem:$0xF80] =	vst v3;
	v3 =	vadd.s32 v30, v23  }
0xea: {  	v59 =	vld [tilespmem:$0x5E0];
	v26 =	vmul.u32 $0x803, v37;
	[tilespmem:$0x1000] =	vst v3;
	v3 =	vadd.s32 v32, v24  }
0xeb: {  	v61 =	vld [tilespmem:$0x5F0];
	v27 =	vmul.u32 $0x803, v39;
	[tilespmem:$0x1080] =	vst v3;
	v3 =	vadd.s32 v34, v25  }
0xec: {  	v4 =	vld [tilespmem:$0x610];
	v28 =	vmul.u32 $0x803, v41;
	[tilespmem:$0x1100] =	vst v3;
	v3 =	vadd.s32 v36, v26  }
0xed: {  	v63 =	vld [tilespmem:$0x600];
	v29 =	vmul.u32 $0x803, v43;
	[tilespmem:$0x1180] =	vst v3;
	v3 =	vadd.s32 v38, v27  }
0xee: {  	v5 =	vld [tilespmem:$0x240];
	v30 =	vmul.u32 $0x803, v45;
	[tilespmem:$0x1200] =	vst v3;
	v3 =	vadd.s32 v40, v28  }
0xef: {  	v7 =	vld [tilespmem:$0x640];
	v31 =	vmul.u32 $0x803, v47;
	[tilespmem:$0x1280] =	vst v3;
	v3 =	vadd.s32 v42, v29  }
0xf0: {  	v11 =	vld [tilespmem:$0x260];
	v32 =	vmul.u32 $0x803, v49;
	[tilespmem:$0x1300] =	vst v3;
	v3 =	vadd.s32 v44, v30  }
0xf1: {  	v9 =	vld [tilespmem:$0x250];
	v33 =	vmul.u32 $0x803, v51;
	[tilespmem:$0x1380] =	vst v3;
	v3 =	vadd.s32 v46, v31  }
0xf2: {  	v8 =	vld [tilespmem:$0x320];
	v34 =	vmul.u32 $0x803, v53;
	[tilespmem:$0x1400] =	vst v3;
	v3 =	vadd.s32 v48, v32  }
0xf3: {  	v60 =	vld [tilespmem:$0x620];
	v35 =	vmul.u32 $0x803, v55;
	[tilespmem:$0x1480] =	vst v3;
	v3 =	vadd.s32 v50, v33  }
0xf4: {  	v62 =	vld [tilespmem:$0x630];
	v36 =	vmul.u32 $0x803, v57;
	[tilespmem:$0x1500] =	vst v3;
	v3 =	vadd.s32 v52, v34  }
0xf5: {  	v10 =	vld [tilespmem:$0x650];
	v37 =	vmul.u32 $0x803, v59;
	[tilespmem:$0x1580] =	vst v3;
	v3 =	vadd.s32 v54, v35  }
0xf6: {  	v12 =	vld [tilespmem:$0x660];
	[tilespmem:$0x1600] =	vst v3;
	v3 =	vadd.s32 v56, v36  }
0xf7: {  	v13 =	vld [tilespmem:$0x270];
	[tilespmem:$0x1680] =	vst v3;
	v3 =	vadd.s32 v58, v37  }
0xf8: {  	[tilespmem:$0x1700] =	vst v3;
	v3 =	vld [tilespmem:$0x1FFB0]  }
0xf9: {  	v14 =	vld [tilespmem:$0x670]  }
0xfa: {  	v15 =	vld [tilespmem:$0x280]  }
0xfb: {  	v16 =	vld [tilespmem:$0x680];
	v38 =	vmul.u32 $0x803, v61  }
0xfc: {  	v39 =	vmul.u32 $0x803, v63;
	v63 =	vld [tilespmem:$0x380]  }
0xfd: {  	v18 =	vld [tilespmem:$0x690];
	v3 =	vadd.s32 v3, v38  }
0xfe: {  	[tilespmem:$0x1780] =	vst v3;
	v3 =	vld [tilespmem:$0x1FFC0]  }
0xff: {  	v47 =	vld [tilespmem:$0x340]  }
0x100: {  	v17 =	vld [tilespmem:$0x290]  }
0x101: {  	v55 =	vld [tilespmem:$0x360]  }
0x102: {  	v19 =	vld [tilespmem:$0x2A0]  }
0x103: {  	v20 =	vld [tilespmem:$0x6A0];
	v3 =	vadd.s32 v3, v39  }
0x104: {  	[tilespmem:$0x1800] =	vst v3;
	v3 =	vld [tilespmem:$0x1FFD0]  }
0x105: {  	v51 =	vld [tilespmem:$0x350]  }
0x106: {  	v21 =	vld [tilespmem:$0x2B0]  }
0x107: {  	v4 =	vmul.u32 $0x803, v4;
	v59 =	vld [tilespmem:$0x370]  }
0x108: {  	v22 =	vld [tilespmem:$0x6B0]  }
0x109: {  	v23 =	vld [tilespmem:$0x2C0];
	v3 =	vadd.s32 v3, v4  }
0x10a: {  	[tilespmem:$0x1880] =	vst v3;
	v3 =	vld [tilespmem:$0x1FFE0]  }
0x10b: {  	v45 =	vld [tilespmem:$0x730]  }
0x10c: {  	v24 =	vld [tilespmem:$0x6C0]  }
0x10d: {  	v41 =	vmul.u32 $0x803, v60;
	v49 =	vld [tilespmem:$0x740]  }
0x10e: {  	v25 =	vld [tilespmem:$0x2D0]  }
0x10f: {  	v53 =	vld [tilespmem:$0x750];
	v3 =	vadd.s32 v3, v41  }
0x110: {  	[tilespmem:$0x1900] =	vst v3;
	v3 =	vld [tilespmem:$0x1FFF0]  }
0x111: {  	v26 =	vld [tilespmem:$0x6D0]  }
0x112: {  	v57 =	vld [tilespmem:$0x760]  }
0x113: {  	v43 =	vmul.u32 $0x803, v62;
	v27 =	vld [tilespmem:$0x2E0]  }
0x114: {  	v61 =	vld [tilespmem:$0x770];
	v44 =	vmul.u32 $0x803, v7  }
0x115: {  	v28 =	vld [tilespmem:$0x6E0];
	v46 =	vmul.u32 $0x803, v10;
	v3 =	vadd.s32 v3, v43  }
0x116: {  	v40 =	vld [tilespmem:$0x710];
	v48 =	vmul.u32 $0x803, v12;
	[tilespmem:$0x1980] =	vst v3;
	v3 =	vadd.s32 v5, v44  }
0x117: {  	v29 =	vld [tilespmem:$0x2F0];
	v50 =	vmul.u32 $0x803, v14;
	[tilespmem:$0x1A00] =	vst v3;
	v3 =	vadd.s32 v9, v46  }
0x118: {  	v42 =	vld [tilespmem:$0x720];
	v52 =	vmul.u32 $0x803, v16;
	[tilespmem:$0x1A80] =	vst v3;
	v3 =	vadd.s32 v11, v48  }
0x119: {  	v30 =	vld [tilespmem:$0x6F0];
	v54 =	vmul.u32 $0x803, v18;
	[tilespmem:$0x1B00] =	vst v3;
	v3 =	vadd.s32 v13, v50  }
0x11a: {  	v32 =	vld [tilespmem:$0x700];
	v56 =	vmul.u32 $0x803, v20;
	[tilespmem:$0x1B80] =	vst v3;
	v3 =	vadd.s32 v15, v52  }
0x11b: {  	v60 =	vmul.u32 $0x803, v24;
	v24 =	vld [tilespmem:$0x780];
	v58 =	vmul.u32 $0x803, v22;
	[tilespmem:$0x1C00] =	vst v3;
	v3 =	vadd.s32 v17, v54  }
0x11c: {  	v31 =	vld [tilespmem:$0x300];
	[tilespmem:$0x1C80] =	vst v3;
	v3 =	vadd.s32 v19, v56  }
0x11d: {  	v62 =	vmul.u32 $0x803, v26;
	v33 =	vld [tilespmem:$0x310];
	[tilespmem:$0x1D00] =	vst v3;
	v3 =	vadd.s32 v21, v58  }
0x11e: {  	v36 =	vld [tilespmem:$0x330];
	[tilespmem:$0x1D80] =	vst v3;
	v3 =	vadd.s32 v23, v60;
	v23 =	vmul.u32 $0x803, v28  }
0x11f: {  	v26 =	vmul.u32 $0x803, v30;
	v30 =	vmul.u32 $0x803, v32;
	v32 =	vld [tilespmem:$0x790];
	[tilespmem:$0x1E00] =	vst v3;
	v3 =	vadd.s32 v25, v62  }
0x120: {  	v37 =	vmul.u32 $0x803, v40;
	v40 =	vld [tilespmem:$0x7A0];
	[tilespmem:$0x1E80] =	vst v3;
	v3 =	vadd.s32 v27, v23  }
0x121: {  	v38 =	vld [tilespmem:$0x3A0];
	[tilespmem:$0x1F00] =	vst v3;
	v3 =	vadd.s32 v29, v26  }
0x122: {  	v39 =	vmul.u32 $0x803, v42;
	v42 =	vld [tilespmem:$0x3B0];
	[tilespmem:$0x1F80] =	vst v3;
	v3 =	vadd.s32 v31, v30  }
0x123: {  	v41 =	vmul.u32 $0x803, v45;
	v44 =	vld [tilespmem:$0x7B0];
	[tilespmem:$0x2000] =	vst v3;
	v3 =	vadd.s32 v33, v37  }
0x124: {  	v43 =	vmul.u32 $0x803, v49;
	v46 =	vld [tilespmem:$0x3C0];
	[tilespmem:$0x2080] =	vst v3;
	v3 =	vadd.s32 v8, v39  }
0x125: {  	v45 =	vmul.u32 $0x803, v53;
	v48 =	vld [tilespmem:$0x7C0];
	[tilespmem:$0x2100] =	vst v3;
	v3 =	vadd.s32 v36, v41  }
0x126: {  	v28 =	vld [tilespmem:$0x390];
	[tilespmem:$0x2180] =	vst v3;
	v3 =	vadd.s32 v47, v43;
	v47 =	vmul.u32 $0x803, v57  }
0x127: {  	v49 =	vmul.u32 $0x803, v61;
	v50 =	vld [tilespmem:$0x3D0];
	[tilespmem:$0x2200] =	vst v3;
	v3 =	vadd.s32 v51, v45  }
0x128: {  	v52 =	vld [tilespmem:$0x7D0];
	v51 =	vmul.u32 $0x803, v24;
	[tilespmem:$0x2280] =	vst v3;
	v3 =	vadd.s32 v55, v47  }
0x129: {  	v53 =	vmul.u32 $0x803, v32;
	v54 =	vld [tilespmem:$0x7E0];
	[tilespmem:$0x2300] =	vst v3;
	v3 =	vadd.s32 v59, v49  }
0x12a: {  	v56 =	vld [tilespmem:$0x7F0];
	v55 =	vmul.u32 $0x803, v40;
	[tilespmem:$0x2380] =	vst v3;
	v3 =	vadd.s32 v63, v51  }
0x12b: {  	v58 =	vld [tilespmem:$0x3E0];
	v57 =	vmul.u32 $0x803, v44;
	[tilespmem:$0x2400] =	vst v3;
	v3 =	vadd.s32 v28, v53  }
0x12c: {  	v60 =	vld [tilespmem:$0x3F0];
	v59 =	vmul.u32 $0x803, v48;
	[tilespmem:$0x2480] =	vst v3;
	v3 =	vadd.s32 v38, v55  }
0x12d: {  	v61 =	vmul.u32 $0x803, v52;
	[tilespmem:$0x2500] =	vst v3;
	v3 =	vadd.s32 v42, v57  }
0x12e: {  	v62 =	vmul.u32 $0x803, v54;
	[tilespmem:$0x2580] =	vst v3;
	v3 =	vadd.s32 v46, v59  }
0x12f: {  	v63 =	vmul.u32 $0x803, v56;
	[tilespmem:$0x2600] =	vst v3;
	v3 =	vadd.s32 v50, v61  }
0x130: {  	[tilespmem:$0x2680] =	vst v3;
	v3 =	vadd.s32 v58, v62  }
0x131: {  	[tilespmem:$0x2700] =	vst v3;
	v3 =	vadd.s32 v60, v63  }
0x132: {  	s13 =	rddreg [dreg:$0xa];
	s17 =	simm.s32 $0x0;
	[tilespmem:$0x2780] =	vst v3  }
.LBB2_2:
0x133: {  	_ =	swait.ge [sflag:s2], $0x8000  }
0x134: {  	[sflag:s2] =	ssyncset.done $0x0  }
0x135: {  	s18 =	sadd.s32 $0xFFFFE000, s13;
	[sflag:s2] =	ssyncadd.s32 $0xFFFF8000  }
0x136: {  	[hbm4b:s18+s3] =	stream.linear.scatter [tilespmem:s20], [sflag:$0x4], $0x8000, $0x38;
	[tilespmem:$0x1A800] =	vst v63  }
0x137: {  	_ =	swait.ge [sflag:s19], $0x8000  }
0x138: {  	[sflag:s19] =	ssyncset.done $0x0  }
0x139: {  	s18 =	sshra.s32 s17, $0x2;
	[sflag:s19] =	ssyncadd.s32 $0xFFFF8000  }
0x13a: {  	v3 =	vld [tilespmem:s18+$0x980];
	_ =	sdelay $0x4  }
0x13b: {  	v4 =	vshll.u32 v3, $0x4  }
0x13c: {  	v3 =	vand.u32 $0x7, v3;
	v4 =	vand.u32 $0xFFFFFF80, v4  }
0x13d: {  	v3 =	vor.u32 v3, v4  }
0x13e: {  	v4 =	vperm.xlane v3, v0;
	_ =	sdelay $0x1  }
0x13f: {  	v4 =	vadd.s32 v1, v4;
	_ =	sdelay $0x4  }
0x140: {  	[tilespmem:s20], [sflag:$0x1] =	stream.indirect_vreg.gather [hbm4b:s1+s3], $0x80, v4, vm0, $0xb8;
	[tilespmem:$0x1A800] =	vst v63  }
0x141: {  	s21 =	simm.s32 $0x3000  }
0x142: {  	[tilespmem:s21], [sflag:$0x1] =	stream.indirect_vreg.gather [hbm4b:s6+s3], $0x80, v4, vm0, $0xb8;
	[tilespmem:$0x1A800] =	vst v63  }
0x143: {  	s22 =	simm.s32 $0x3800  }
0x144: {  	[tilespmem:s22], [sflag:$0x1] =	stream.indirect_vreg.gather [hbm4b:s7+s3], $0x80, v4, vm0, $0xb8;
	[tilespmem:$0x1A800] =	vst v63  }
0x145: {  	s22 =	simm.s32 $0x4000  }
0x146: {  	[tilespmem:s22], [sflag:$0x1] =	stream.indirect_vreg.gather [hbm4b:s8+s3], $0x80, v4, vm0, $0xb8;
	[tilespmem:$0x1A800] =	vst v63  }
0x147: {  	s22 =	simm.s32 $0x4800  }
0x148: {  	[tilespmem:s22], [sflag:$0x1] =	stream.indirect_vreg.gather [hbm4b:s9+s3], $0x80, v4, vm0, $0xb8;
	[tilespmem:$0x1A800] =	vst v63  }
0x149: {  	v3 =	vperm.xlane v3, v2;
	s22 =	simm.s32 $0x5000  }
0x14a: {  	[tilespmem:s22], [sflag:$0x1] =	stream.indirect_vreg.gather [hbm4b:s10+s3], $0x80, v4, vm0, $0xb8;
	[tilespmem:$0x1A800] =	vst v63  }
0x14b: {  	v3 =	vadd.s32 v1, v3;
	s22 =	simm.s32 $0x5800  }
0x14c: {  	[tilespmem:s22], [sflag:$0x1] =	stream.indirect_vreg.gather [hbm4b:s11+s3], $0x80, v4, vm0, $0xb8;
	[tilespmem:$0x1A800] =	vst v63  }
0x14d: {  	s22 =	simm.s32 $0x6000  }
0x14e: {  	[tilespmem:s22], [sflag:$0x1] =	stream.indirect_vreg.gather [hbm4b:s12+s3], $0x80, v4, vm0, $0xb8;
	[tilespmem:$0x1A800] =	vst v63  }
0x14f: {  	s22 =	simm.s32 $0x6800  }
0x150: {  	[tilespmem:s22], [sflag:$0x1] =	stream.indirect_vreg.gather [hbm4b:s1+s3], $0x80, v3, vm0, $0xb8;
	[tilespmem:$0x1A800] =	vst v63  }
0x151: {  	s22 =	simm.s32 $0x7000  }
0x152: {  	[tilespmem:s22], [sflag:$0x1] =	stream.indirect_vreg.gather [hbm4b:s6+s3], $0x80, v3, vm0, $0xb8;
	[tilespmem:$0x1A800] =	vst v63  }
0x153: {  	s22 =	simm.s32 $0x7800  }
0x154: {  	[tilespmem:s22], [sflag:$0x1] =	stream.indirect_vreg.gather [hbm4b:s7+s3], $0x80, v3, vm0, $0xb8;
	[tilespmem:$0x1A800] =	vst v63  }
0x155: {  	s22 =	simm.s32 $0x8000  }
0x156: {  	[tilespmem:s22], [sflag:$0x1] =	stream.indirect_vreg.gather [hbm4b:s8+s3], $0x80, v3, vm0, $0xb8;
	[tilespmem:$0x1A800] =	vst v63  }
0x157: {  	s22 =	simm.s32 $0x8800  }
0x158: {  	[tilespmem:s22], [sflag:$0x1] =	stream.indirect_vreg.gather [hbm4b:s9+s3], $0x80, v3, vm0, $0xb8;
	[tilespmem:$0x1A800] =	vst v63  }
0x159: {  	s22 =	simm.s32 $0x9000  }
0x15a: {  	[tilespmem:s22], [sflag:$0x1] =	stream.indirect_vreg.gather [hbm4b:s10+s3], $0x80, v3, vm0, $0xb8;
	[tilespmem:$0x1A800] =	vst v63  }
0x15b: {  	s22 =	simm.s32 $0x9800  }
0x15c: {  	[tilespmem:s22], [sflag:$0x1] =	stream.indirect_vreg.gather [hbm4b:s11+s3], $0x80, v3, vm0, $0xb8;
	[tilespmem:$0x1A800] =	vst v63  }
0x15d: {  	s22 =	simm.s32 $0xA000  }
0x15e: {  	[tilespmem:s22], [sflag:$0x1] =	stream.indirect_vreg.gather [hbm4b:s12+s3], $0x80, v3, vm0, $0xb8;
	[tilespmem:$0x1A800] =	vst v63  }
0x15f: {  	_ =	swait.ge [sflag:s15], $0x8000  }
0x160: {  	[sflag:s15] =	ssyncset.done $0x0  }
0x161: {  	s21 =	sadd.s32 $0xFFFFF000, s13;
	s22 =	simm.s32 $0xA800;
	[sflag:s15] =	ssyncadd.s32 $0xFFFF8000  }
0x162: {  	[hbm4b:s21+s3] =	stream.linear.scatter [tilespmem:s22], [sflag:$0x5], $0x8000, $0x38;
	[tilespmem:$0x1A800] =	vst v63  }
0x163: {  	_ =	swait.ge [sflag:s4], $0x8000  }
0x164: {  	p0 =	seq.s32 s17, $0x7800;
	[sflag:s4] =	ssyncset.done $0x0  }
0x165: {  	s21 =	sshra.s32 @!p0 s17, $0x2;
	[sflag:s4] =	ssyncadd.s32 $0xFFFF8000  }
0x166: {  	v3 =	vld @!p0 [tilespmem:s21+$0xA00];
	_ =	sdelay $0x4  }
0x167: {  	v4 =	vshll.u32 @!p0 v3, $0x4  }
0x168: {  	v5 =	vlaneseq.u32 @!p0;
	v3 =	vand.u32 @!p0 $0x7, v3;
	v4 =	vand.u32 @!p0 $0xFFFFFF80, v4  }
0x169: {  	v6 =	vshrl.u32 @!p0 v5, $0x3;
	v3 =	vor.u32 @!p0 v3, v4;
	v4 =	vand.u32 @!p0 $0x7, v5  }
0x16a: {  	v6 =	vmul.u32 @!p0 $0x8, v6;
	v4 =	vperm.xlane @!p0 v3, v4;
	_ =	sdelay $0x1  }
0x16b: {  	v4 =	vadd.s32 @!p0 v6, v4;
	_ =	sdelay $0x3  }
0x16c: {  	vm1 =	vmmov @!p0 $0xffff;
	s22 =	simm.s32 @!p0 $0xA800;
	s21 =	simm.s32 @!p0 $0x0  }
0x16d: {  	[tilespmem:s22], [sflag:$0x2] =	stream.indirect_vreg.gather @!p0 [hbm4b:s1+s21], $0x80, v4, vm1, $0xb8;
	[tilespmem:$0x1A800] =	vst v63  }
0x16e: {  	s22 =	simm.s32 @!p0 $0xB000  }
0x16f: {  	[tilespmem:s22], [sflag:$0x2] =	stream.indirect_vreg.gather @!p0 [hbm4b:s6+s21], $0x80, v4, vm1, $0xb8;
	[tilespmem:$0x1A800] =	vst v63  }
0x170: {  	s22 =	simm.s32 @!p0 $0xB800  }
0x171: {  	[tilespmem:s22], [sflag:$0x2] =	stream.indirect_vreg.gather @!p0 [hbm4b:s7+s21], $0x80, v4, vm1, $0xb8;
	[tilespmem:$0x1A800] =	vst v63  }
0x172: {  	s22 =	simm.s32 @!p0 $0xC000  }
0x173: {  	[tilespmem:s22], [sflag:$0x2] =	stream.indirect_vreg.gather @!p0 [hbm4b:s8+s21], $0x80, v4, vm1, $0xb8;
	[tilespmem:$0x1A800] =	vst v63  }
0x174: {  	s22 =	simm.s32 @!p0 $0xC800  }
0x175: {  	v5 =	vor.u32 @!p0 $0x8, v5;
	[tilespmem:s22], [sflag:$0x2] =	stream.indirect_vreg.gather @!p0 [hbm4b:s9+s21], $0x80, v4, vm1, $0xb8;
	[tilespmem:$0x1A800] =	vst v63  }
0x176: {  	v3 =	vperm.xlane @!p0 v3, v5;
	s22 =	simm.s32 @!p0 $0xD000  }
0x177: {  	[tilespmem:s22], [sflag:$0x2] =	stream.indirect_vreg.gather @!p0 [hbm4b:s10+s21], $0x80, v4, vm1, $0xb8;
	[tilespmem:$0x1A800] =	vst v63  }
0x178: {  	v3 =	vadd.s32 @!p0 v6, v3;
	s22 =	simm.s32 @!p0 $0xD800  }
0x179: {  	[tilespmem:s22], [sflag:$0x2] =	stream.indirect_vreg.gather @!p0 [hbm4b:s11+s21], $0x80, v4, vm1, $0xb8;
	[tilespmem:$0x1A800] =	vst v63  }
0x17a: {  	s22 =	simm.s32 @!p0 $0xE000  }
0x17b: {  	[tilespmem:s22], [sflag:$0x2] =	stream.indirect_vreg.gather @!p0 [hbm4b:s12+s21], $0x80, v4, vm1, $0xb8;
	[tilespmem:$0x1A800] =	vst v63  }
0x17c: {  	s22 =	simm.s32 @!p0 $0xE800  }
0x17d: {  	[tilespmem:s22], [sflag:$0x2] =	stream.indirect_vreg.gather @!p0 [hbm4b:s1+s21], $0x80, v3, vm1, $0xb8;
	[tilespmem:$0x1A800] =	vst v63  }
0x17e: {  	s22 =	simm.s32 @!p0 $0xF000  }
0x17f: {  	[tilespmem:s22], [sflag:$0x2] =	stream.indirect_vreg.gather @!p0 [hbm4b:s6+s21], $0x80, v3, vm1, $0xb8;
	[tilespmem:$0x1A800] =	vst v63  }
0x180: {  	s22 =	simm.s32 @!p0 $0xF800  }
0x181: {  	[tilespmem:s22], [sflag:$0x2] =	stream.indirect_vreg.gather @!p0 [hbm4b:s7+s21], $0x80, v3, vm1, $0xb8;
	[tilespmem:$0x1A800] =	vst v63  }
0x182: {  	s22 =	simm.s32 @!p0 $0x10000  }
0x183: {  	[tilespmem:s22], [sflag:$0x2] =	stream.indirect_vreg.gather @!p0 [hbm4b:s8+s21], $0x80, v3, vm1, $0xb8;
	[tilespmem:$0x1A800] =	vst v63  }
0x184: {  	s22 =	simm.s32 @!p0 $0x10800  }
0x185: {  	[tilespmem:s22], [sflag:$0x2] =	stream.indirect_vreg.gather @!p0 [hbm4b:s9+s21], $0x80, v3, vm1, $0xb8;
	[tilespmem:$0x1A800] =	vst v63  }
0x186: {  	s22 =	simm.s32 @!p0 $0x11000  }
0x187: {  	[tilespmem:s22], [sflag:$0x2] =	stream.indirect_vreg.gather @!p0 [hbm4b:s10+s21], $0x80, v3, vm1, $0xb8;
	[tilespmem:$0x1A800] =	vst v63  }
0x188: {  	s22 =	simm.s32 @!p0 $0x11800  }
0x189: {  	[tilespmem:s22], [sflag:$0x2] =	stream.indirect_vreg.gather @!p0 [hbm4b:s11+s21], $0x80, v3, vm1, $0xb8;
	[tilespmem:$0x1A800] =	vst v63  }
0x18a: {  	s22 =	simm.s32 @!p0 $0x12000  }
0x18b: {  	[tilespmem:s22], [sflag:$0x2] =	stream.indirect_vreg.gather @!p0 [hbm4b:s12+s21], $0x80, v3, vm1, $0xb8;
	[tilespmem:$0x1A800] =	vst v63  }
0x18c: {  	_ =	swait.ge [sflag:s16], $0x8000  }
0x18d: {  	[sflag:s16] =	ssyncset.done $0x0  }
.Ltmp2:
0x18e: {  	[sflag:s16] =	ssyncadd.s32 $0xFFFF8000;
	(pc) =	sbr.rel @p0 .LBB2_4-.Ltmp2, $4  }
0x18f: {  	[hbm4b:s13+s3] =	stream.linear.scatter [tilespmem:s14], [sflag:$0x6], $0x8000, $0x38;
	[tilespmem:$0x1A800] =	vst v63  }
0x190: {  	_ =	swait.ge [sflag:s5], $0x8000  }
0x191: {  	[sflag:s5] =	ssyncset.done $0x0  }
0x192: {  	[sflag:s5] =	ssyncadd.s32 $0xFFFF8000  }
0x193: {  	v3 =	vld [tilespmem:s18+$0xA80];
	_ =	sdelay $0x4  }
0x194: {  	v4 =	vshll.u32 v3, $0x4  }
0x195: {  	v3 =	vand.u32 $0x7, v3;
	v4 =	vand.u32 $0xFFFFFF80, v4  }
0x196: {  	v3 =	vor.u32 v3, v4  }
0x197: {  	v4 =	vperm.xlane v3, v0;
	_ =	sdelay $0x1  }
0x198: {  	v4 =	vadd.s32 v1, v4;
	_ =	sdelay $0x4  }
0x199: {  	[tilespmem:s14], [sflag:$0x3] =	stream.indirect_vreg.gather [hbm4b:s1+s3], $0x80, v4, vm0, $0xb8;
	[tilespmem:$0x1A800] =	vst v63  }
0x19a: {  	s21 =	simm.s32 $0x13000  }
0x19b: {  	[tilespmem:s21], [sflag:$0x3] =	stream.indirect_vreg.gather [hbm4b:s6+s3], $0x80, v4, vm0, $0xb8;
	[tilespmem:$0x1A800] =	vst v63  }
0x19c: {  	s22 =	simm.s32 $0x13800  }
0x19d: {  	[tilespmem:s22], [sflag:$0x3] =	stream.indirect_vreg.gather [hbm4b:s7+s3], $0x80, v4, vm0, $0xb8;
	[tilespmem:$0x1A800] =	vst v63  }
0x19e: {  	s21 =	simm.s32 $0x14000  }
0x19f: {  	[tilespmem:s21], [sflag:$0x3] =	stream.indirect_vreg.gather [hbm4b:s8+s3], $0x80, v4, vm0, $0xb8;
	[tilespmem:$0x1A800] =	vst v63  }
0x1a0: {  	s22 =	simm.s32 $0x14800  }
0x1a1: {  	[tilespmem:s22], [sflag:$0x3] =	stream.indirect_vreg.gather [hbm4b:s9+s3], $0x80, v4, vm0, $0xb8;
	[tilespmem:$0x1A800] =	vst v63  }
0x1a2: {  	v3 =	vperm.xlane v3, v2;
	s21 =	simm.s32 $0x15000  }
0x1a3: {  	[tilespmem:s21], [sflag:$0x3] =	stream.indirect_vreg.gather [hbm4b:s10+s3], $0x80, v4, vm0, $0xb8;
	[tilespmem:$0x1A800] =	vst v63  }
0x1a4: {  	v3 =	vadd.s32 v1, v3;
	s22 =	simm.s32 $0x15800  }
0x1a5: {  	[tilespmem:s22], [sflag:$0x3] =	stream.indirect_vreg.gather [hbm4b:s11+s3], $0x80, v4, vm0, $0xb8;
	[tilespmem:$0x1A800] =	vst v63  }
0x1a6: {  	_ = 	snop  }
0x1a7: {  	[tilespmem:s23], [sflag:$0x3] =	stream.indirect_vreg.gather [hbm4b:s12+s3], $0x80, v4, vm0, $0xb8;
	[tilespmem:$0x1A800] =	vst v63  }
0x1a8: {  	_ = 	snop  }
0x1a9: {  	[tilespmem:s24], [sflag:$0x3] =	stream.indirect_vreg.gather [hbm4b:s1+s3], $0x80, v3, vm0, $0xb8;
	[tilespmem:$0x1A800] =	vst v63  }
0x1aa: {  	_ = 	snop  }
0x1ab: {  	[tilespmem:s25], [sflag:$0x3] =	stream.indirect_vreg.gather [hbm4b:s6+s3], $0x80, v3, vm0, $0xb8;
	[tilespmem:$0x1A800] =	vst v63  }
0x1ac: {  	_ = 	snop  }
0x1ad: {  	[tilespmem:s26], [sflag:$0x3] =	stream.indirect_vreg.gather [hbm4b:s7+s3], $0x80, v3, vm0, $0xb8;
	[tilespmem:$0x1A800] =	vst v63  }
0x1ae: {  	_ = 	snop  }
0x1af: {  	[tilespmem:s28], [sflag:$0x3] =	stream.indirect_vreg.gather [hbm4b:s8+s3], $0x80, v3, vm0, $0xb8;
	[tilespmem:$0x1A800] =	vst v63  }
0x1b0: {  	_ = 	snop  }
0x1b1: {  	[tilespmem:s29], [sflag:$0x3] =	stream.indirect_vreg.gather [hbm4b:s9+s3], $0x80, v3, vm0, $0xb8;
	[tilespmem:$0x1A800] =	vst v63  }
0x1b2: {  	_ = 	snop  }
0x1b3: {  	[tilespmem:s30], [sflag:$0x3] =	stream.indirect_vreg.gather [hbm4b:s10+s3], $0x80, v3, vm0, $0xb8;
	[tilespmem:$0x1A800] =	vst v63  }
.Ltmp3:
0x1b4: {  	_ = 	snop;
	(pc) =	sbr.rel .LBB2_2-.Ltmp3, $4  }
0x1b5: {  	_ = 	snop  }
0x1b6: {  	[tilespmem:s31], [sflag:$0x3] =	stream.indirect_vreg.gather [hbm4b:s11+s3], $0x80, v3, vm0, $0xb8;
	[tilespmem:$0x1A800] =	vst v63  }
0x1b7: {  	s13 =	sadd.s32 $0x3000, s13;
	s17 =	sadd.s32 $0x600, s17  }
0x1b8: {  	[tilespmem:s0], [sflag:$0x3] =	stream.indirect_vreg.gather [hbm4b:s12+s3], $0x80, v3, vm0, $0xb8;
	[tilespmem:$0x1A800] =	vst v63  }
.LBB2_5:
0x1b9: {  	_ =	sfence.sel $0x180000  }
0x1ba: {  	[bflag:$0x0] =	sbarrier.arrive $0xFFFF  }
0x1bb: {  	_ =	strace $0x90000047  }
0x1bc: {  	s0 =	stileid.u32;
	[bflag:$0x2] =	sbarrier.arrive $0xFFFF  }
0x1bd: {  	p0 =	sne.s32 s0, $0x0;
	s0 =	rddreg [dreg:$0x3]  }
0x1be: {  	s0 =	sadd.s32 @!p0 $0x100000, s0  }
0x1bf: {  	[sflag:s0] =	ssyncadd.tile.s32 @!p0 $0x1;
	_ =	shalt  }
.Lfunc_end2:
_tile_overlayer_lowered:
.L_overlay_start_2:
0x1c0: {  	(tag) =	ssettag $0x2  }
0x1c1: {  	s0 =	rddreg [dreg:$0x0];
	s2 =	stileid.u32  }
0x1c2: {  	s1 =	rddreg [dreg:$0x1];
	p0 =	sne.s32 s2, $0x0  }
0x1c3: {  	s3 =	rddreg [dreg:$0x2];
	[bflag:$0x3] =	sbarrier.arrive $0xFFFF;
	s2 =	simm.s32 @!p0 $0x1C07  }
0x1c4: {  	[timem:s3], [sflag:s2] =	dma.local @!p0 [hbm:s0], s1  }
0x1c5: {  	s0 =	simm.s32 @!p0 $0x7  }
0x1c6: {  	_ =	swait.ge @!p0 [sflag:s0], s1  }
0x1c7: {  	s1 =	ssub.s32 @!p0 $0x0, s1;
	[sflag:s0] =	ssyncset.done @!p0 $0x0  }
0x1c8: {  	[sflag:s0] =	ssyncadd.s32 @!p0 s1  }
0x1c9: {  	[bflag:$0x3] =	sbarrier.arrive $0xFFFF  }
0x1ca: {  	_ =	shalt  }

</sc_bundles>
